<compile_context>
chip_gen: v7x
topology: tpu7x:2x2x1
jax: 0.10.2.dev20260603
libtpu: 0.0.44.dev20260713+nightly
codegen_flags: <defaults>
</compile_context>

<pallas_src>
import functools

import jax
import jax.numpy as jnp
from jax import lax
from jax.experimental import pallas as pl
from jax.experimental.pallas import tpu as pltpu
from jax.experimental.pallas import tpu_sc as plsc

NC = 2
NS = 16
NW = NC * NS
C = 80
L = 16


def _sc_aggregate(x, sd_flat, z_agg, e):
    n, d = x.shape
    ept = e // NW
    gc = ept // C
    C2 = 2 * C
    rpt = (n // NS) // 8 * 8
    rlast = n - (NS - 1) * rpt
    assert gc % 2 == 1

    mesh = plsc.VectorSubcoreMesh(core_axis_name="c", subcore_axis_name="s")

    @functools.partial(
        pl.kernel,
        mesh=mesh,
        out_type=[
            jax.ShapeDtypeStruct((NC, n, d), jnp.float32),
            jax.ShapeDtypeStruct((NC, n, d), jnp.float32),
        ],
        scratch_types=[
            pltpu.VMEM((C2,), jnp.int32),
            pltpu.VMEM((C2,), jnp.int32),
            pltpu.VMEM((C,), jnp.int32),
            pltpu.VMEM((C,), jnp.int32),
            pltpu.VMEM((C, d), jnp.float32),
            pltpu.VMEM((C, d), jnp.float32),
            pltpu.VMEM((C, d), jnp.float32),
            pltpu.VMEM_SHARED((n, d), jnp.float32),
            pltpu.SemaphoreType.DMA,
            pltpu.SemaphoreType.DMA,
            pltpu.SemaphoreType.DMA,
            pltpu.SemaphoreType.DMA,
        ],
    )
    def sc_kern(x_hbm, sd_hbm, zagg_hbm, agg_out, deg_out,
                ibuf0, ibuf1, idx_d0, idx_d1, rows0, rows1, ones_v,
                agg_sh, sem0, sem1, semI0, semI1):
        c = lax.axis_index("c")
        s = lax.axis_index("s")
        r0 = s * rpt
        qbase = (c * NS + s) * gc

        def iload(q, ibuf, semI):
            return pltpu.async_copy(sd_hbm.at[pl.ds(q * C2, C2)], ibuf, semI)

        def iload_wait(ibuf, semI):
            pltpu.make_async_copy(sd_hbm.at[pl.ds(0, C2)], ibuf, semI).wait()

        def bounce(ibuf, idx_d):
            for k in range(C // L):
                idx_d[pl.ds(k * L, L)] = ibuf[pl.ds(C + k * L, L)]

        def zero_acc():
            @pl.when(s < NS - 1)
            def _():
                pltpu.sync_copy(zagg_hbm.at[pl.ds(r0, rpt)],
                                agg_sh.at[pl.ds(r0, rpt)])

            @pl.when(s == NS - 1)
            def _():
                pltpu.sync_copy(zagg_hbm.at[pl.ds(r0, rlast)],
                                agg_sh.at[pl.ds(r0, rlast)])

        def writeback(out_ref):
            @pl.when(s < NS - 1)
            def _():
                pltpu.sync_copy(agg_sh.at[pl.ds(r0, rpt)],
                                out_ref.at[c, pl.ds(r0, rpt)])

            @pl.when(s == NS - 1)
            def _():
                pltpu.sync_copy(agg_sh.at[pl.ds(r0, rlast)],
                                out_ref.at[c, pl.ds(r0, rlast)])

        zero_acc()

        def fill_row(i, carry):
            def fill_lane(j, carry2):
                ones_v[i, pl.ds(j * L, L)] = jnp.full((L,), 1.0, jnp.float32)
                return carry2
            return lax.fori_loop(0, d // L, fill_lane, carry)

        lax.fori_loop(0, C, fill_row, 0)
        plsc.subcore_barrier()

        def gather(ibuf, rows, sem):
            return pltpu.async_copy(x_hbm.at[ibuf.at[pl.ds(0, C)]],
                                    rows, sem)

        def gather_wait(rows, sem):
            pltpu.make_async_copy(x_hbm.at[ibuf0.at[pl.ds(0, C)]],
                                  rows, sem).wait()

        iload(qbase, ibuf0, semI0)
        iload_wait(ibuf0, semI0)
        bounce(ibuf0, idx_d0)
        gather(ibuf0, rows0, sem0)
        iload(qbase + 1, ibuf1, semI1)

        last = qbase + gc - 1

        def body1(gg, carry):
            g0 = qbase + 2 * gg
            iload_wait(ibuf1, semI1)
            bounce(ibuf1, idx_d1)
            gather(ibuf1, rows1, sem1)
            gather_wait(rows0, sem0)
            iload(g0 + 2, ibuf0, semI0)
            pltpu.sync_copy(rows0, agg_sh.at[idx_d0], add=True)
            iload_wait(ibuf0, semI0)
            bounce(ibuf0, idx_d0)
            gather(ibuf0, rows0, sem0)
            gather_wait(rows1, sem1)
            iload(jnp.minimum(g0 + 3, last), ibuf1, semI1)
            pltpu.sync_copy(rows1, agg_sh.at[idx_d1], add=True)
            return carry

        lax.fori_loop(0, (gc - 1) // 2, body1, 0)
        gather_wait(rows0, sem0)
        pltpu.sync_copy(rows0, agg_sh.at[idx_d0], add=True)
        iload_wait(ibuf1, semI1)
        plsc.subcore_barrier()

        writeback(agg_out)
        zero_acc()
        plsc.subcore_barrier()

        iload(qbase, ibuf0, semI0)
        iload_wait(ibuf0, semI0)
        bounce(ibuf0, idx_d0)
        iload(qbase + 2, ibuf0, semI0)
        iload(qbase + 1, ibuf1, semI1)

        def body2(gg, carry):
            g0 = qbase + 2 * gg
            iload_wait(ibuf1, semI1)
            bounce(ibuf1, idx_d1)
            pltpu.async_copy(ones_v, agg_sh.at[idx_d0], sem0, add=True)
            pltpu.async_copy(ones_v, agg_sh.at[idx_d1], sem1, add=True)
            iload(jnp.minimum(g0 + 3, last), ibuf1, semI1)
            pltpu.make_async_copy(ones_v, agg_sh.at[idx_d0], sem0).wait()
            iload_wait(ibuf0, semI0)
            bounce(ibuf0, idx_d0)
            iload(jnp.minimum(g0 + 4, last), ibuf0, semI0)
            pltpu.make_async_copy(ones_v, agg_sh.at[idx_d1], sem1).wait()
            return carry

        lax.fori_loop(0, (gc - 1) // 2, body2, 0)
        pltpu.sync_copy(ones_v, agg_sh.at[idx_d0], add=True)
        iload_wait(ibuf0, semI0)
        iload_wait(ibuf1, semI1)
        plsc.subcore_barrier()

        writeback(deg_out)

    return sc_kern(x, sd_flat, z_agg)


def _tc_linear_stats(agg_p, deg_p, W, block):
    _, n, d = agg_p.shape
    nb = n // block

    def body(p_ref, d_ref, w_ref, h_ref, s_ref, q_ref):
        i = pl.program_id(0)
        agg = p_ref[0] + p_ref[1]
        deg = d_ref[0, :, 0:1] + d_ref[1, :, 0:1]
        deg = jnp.maximum(deg, 1.0)
        h = jnp.dot(agg / deg, w_ref[...], preferred_element_type=jnp.float32)
        h_ref[...] = h
        s8 = jnp.sum(h.reshape(block // 8, 8, d), axis=0)
        q8 = jnp.sum((h * h).reshape(block // 8, 8, d), axis=0)

        @pl.when(i == 0)
        def _():
            s_ref[...] = s8
            q_ref[...] = q8

        @pl.when(i != 0)
        def _():
            s_ref[...] += s8
            q_ref[...] += q8

    return pl.pallas_call(
        body,
        grid=(nb,),
        in_specs=[
            pl.BlockSpec((NC, block, d), lambda i: (0, i, 0)),
            pl.BlockSpec((NC, block, d), lambda i: (0, i, 0)),
            pl.BlockSpec((d, d), lambda i: (0, 0)),
        ],
        out_specs=[
            pl.BlockSpec((block, d), lambda i: (i, 0)),
            pl.BlockSpec((8, d), lambda i: (0, 0)),
            pl.BlockSpec((8, d), lambda i: (0, 0)),
        ],
        out_shape=[
            jax.ShapeDtypeStruct((n, d), jnp.float32),
            jax.ShapeDtypeStruct((8, d), jnp.float32),
            jax.ShapeDtypeStruct((8, d), jnp.float32),
        ],
    )(agg_p, deg_p, W)


def _tc_bn_gru(h_pre, h_prev, sums, sumsq, gamma, beta,
               Wz, Uz, bz, Wr, Ur, br, Wh, Uh, bh, block):
    n, d = h_pre.shape
    nb = n // block
    inv_n = 1.0 / n

    def body(h_ref, hp_ref, s_ref, q_ref, g_ref, b_ref,
             wz_ref, uz_ref, bz_ref, wr_ref, ur_ref, br_ref,
             wh_ref, uh_ref, bh_ref, o_ref):
        mu = jnp.sum(s_ref[...], axis=0, keepdims=True) * inv_n
        ex2 = jnp.sum(q_ref[...], axis=0, keepdims=True) * inv_n
        var = ex2 - mu * mu
        inv = lax.rsqrt(var + 1e-5)
        h = (h_ref[...] - mu) * (inv * g_ref[...]) + b_ref[...]
        h = jnp.maximum(h, 0.0)
        hp = hp_ref[...]
        dot = lambda a, b: jnp.dot(a, b, preferred_element_type=jnp.float32)
        z = jax.nn.sigmoid(dot(h, wz_ref[...]) + dot(hp, uz_ref[...])
                           + bz_ref[...])
        r = jax.nn.sigmoid(dot(h, wr_ref[...]) + dot(hp, ur_ref[...])
                           + br_ref[...])
        ht = jnp.tanh(dot(h, wh_ref[...]) + dot(r * hp, uh_ref[...])
                      + bh_ref[...])
        o_ref[...] = (1.0 - z) * hp + z * ht

    blk = pl.BlockSpec((block, d), lambda i: (i, 0))
    small = pl.BlockSpec((8, d), lambda i: (0, 0))
    row = pl.BlockSpec((1, d), lambda i: (0, 0))
    mat = pl.BlockSpec((d, d), lambda i: (0, 0))
    return pl.pallas_call(
        body,
        grid=(nb,),
        in_specs=[blk, blk, small, small, row, row,
                  mat, mat, row, mat, mat, row, mat, mat, row],
        out_specs=blk,
        out_shape=jax.ShapeDtypeStruct((n, d), jnp.float32),
    )(h_pre, h_prev, sums, sumsq, gamma.reshape(1, d), beta.reshape(1, d),
      Wz, Uz, bz.reshape(1, d), Wr, Ur, br.reshape(1, d),
      Wh, Uh, bh.reshape(1, d))


def kernel(x, edge_index, h_prev, W, gamma, beta,
           Wz, Uz, bz, Wr, Ur, br, Wh, Uh, bh):
    n, d = x.shape
    e = edge_index.shape[1]
    assert e % (NW * C) == 0 and n % 8 == 0

    src = edge_index[0].astype(jnp.int32)
    dst = edge_index[1].astype(jnp.int32)
    q = e // C
    sd_flat = jnp.concatenate(
        [src.reshape(q, 1, C), dst.reshape(q, 1, C)], axis=1).reshape(-1)
    z_agg = jnp.zeros((n, d), jnp.float32)

    agg_p, deg_p = _sc_aggregate(x, sd_flat, z_agg, e)

    block = 1000
    h_pre, sums, sumsq = _tc_linear_stats(agg_p, deg_p, W, block)
    return _tc_bn_gru(h_pre, h_prev, sums, sumsq, gamma, beta,
                      Wz, Uz, bz, Wr, Ur, br, Wh, Uh, bh, block)

# --- scband reference (transcript-rebuilt; emitter-appended) ---
"""Pipeline reference for scband-recurrent-graph-layer-6425271075323 (READ-ONLY COPY).

The authoritative reference and input builder live on the scoring server;
editing this copy changes nothing except your own understanding.
"""

import jax, jax.numpy as jnp
import numpy as np

N = 10000
E = 320000
D_IN = 128
D_OUT = 128

def setup_inputs(seed: int = 0) -> dict:
    key = jax.random.key(seed)
    ks = jax.random.split(key, 16)
    inp = {}
    inp["x"] = jax.random.normal(ks[0], (N, D_IN), dtype=jnp.float32)
    inp["edge_index"] = jax.random.randint(ks[1], (2, E), 0, N)
    inp["h_prev"] = jax.random.normal(ks[2], (N, D_OUT), dtype=jnp.float32)
    # GCN linear weight (no bias, since has_bn=True)
    inp["W"] = jax.random.normal(ks[3], (D_IN, D_OUT), dtype=jnp.float32) * (1.0 / np.sqrt(D_IN))
    # BatchNorm affine params
    inp["gamma"] = jnp.ones((D_OUT,), dtype=jnp.float32)
    inp["beta"] = jnp.zeros((D_OUT,), dtype=jnp.float32)
    # GRU embedding-update params: h[l,t] = GRU(h[l,t-1], GNN(h[l-1,t]))
    s = 1.0 / np.sqrt(D_OUT)
    inp["Wz"] = jax.random.normal(ks[4], (D_OUT, D_OUT), dtype=jnp.float32) * s
    inp["Uz"] = jax.random.normal(ks[5], (D_OUT, D_OUT), dtype=jnp.float32) * s
    inp["bz"] = jnp.zeros((D_OUT,), dtype=jnp.float32)
    inp["Wr"] = jax.random.normal(ks[6], (D_OUT, D_OUT), dtype=jnp.float32) * s
    inp["Ur"] = jax.random.normal(ks[7], (D_OUT, D_OUT), dtype=jnp.float32) * s
    inp["br"] = jnp.zeros((D_OUT,), dtype=jnp.float32)
    inp["Wh"] = jax.random.normal(ks[8], (D_OUT, D_OUT), dtype=jnp.float32) * s
    inp["Uh"] = jax.random.normal(ks[9], (D_OUT, D_OUT), dtype=jnp.float32) * s
    inp["bh"] = jnp.zeros((D_OUT,), dtype=jnp.float32)
    return inp

def reference(x, edge_index, h_prev, W, gamma, beta, Wz, Uz, bz, Wr, Ur, br, Wh, Uh, bh):
    # ---- GNN block: mean-aggregation graph conv (gather + scatter-add) ----
    src = edge_index[0]
    dst = edge_index[1]
    msgs = jnp.take(x, src, axis=0)                       # gather [E, D_IN]
    agg = jax.ops.segment_sum(msgs, dst, num_segments=N)  # scatter-add [N, D_IN]
    deg = jax.ops.segment_sum(jnp.ones((E,), dtype=x.dtype), dst, num_segments=N)
    deg = jnp.clip(deg, 1.0, None)
    agg = agg / deg[:, None]
    h = agg @ W                                           # linear, bias=False
    # ---- post_layer: BatchNorm1d (batch stats) + ReLU ----
    mu = jnp.mean(h, axis=0)
    var = jnp.var(h, axis=0)
    h = (h - mu) / jnp.sqrt(var + 1e-5)
    h = gamma * h + beta
    h = jax.nn.relu(h)
    # ---- embedding update: GRU(h_prev, h) ----
    z = jax.nn.sigmoid(h @ Wz + h_prev @ Uz + bz)
    r = jax.nn.sigmoid(h @ Wr + h_prev @ Ur + br)
    h_tilde = jnp.tanh(h @ Wh + (r * h_prev) @ Uh + bh)
    h_new = (1.0 - z) * h_prev + z * h_tilde
    return h_new

if __name__ == "__main__":
    import jax
    _d = setup_inputs()
    print(jax.jit(kernel)(*tuple(_d.values())))

</pallas_src>

<mosaic_0001>
#map = affine_map<(d0, d1) -> (0, 0)>
#map1 = affine_map<(d0, d1) -> (0)>
#map2 = affine_map<(d0, d1) -> (0, 0, 0)>
module attributes {stable_mosaic.version = 14 : i64} {
  func.func @sc_kern(%arg0: i32, %arg1: i32, %arg2: memref<10000x128xf32, #tpu.memory_space<hbm>>, %arg3: memref<640000xi32, #tpu.memory_space<hbm>>, %arg4: memref<10000x128xf32, #tpu.memory_space<hbm>>, %arg5: memref<2x10000x128xf32, #tpu.memory_space<hbm>>, %arg6: memref<2x10000x128xf32, #tpu.memory_space<hbm>>, %arg7: memref<160xi32, #tpu.memory_space<vmem>>, %arg8: memref<160xi32, #tpu.memory_space<vmem>>, %arg9: memref<80xi32, #tpu.memory_space<vmem>>, %arg10: memref<80xi32, #tpu.memory_space<vmem>>, %arg11: memref<80x128xf32, #tpu.memory_space<vmem>>, %arg12: memref<80x128xf32, #tpu.memory_space<vmem>>, %arg13: memref<80x128xf32, #tpu.memory_space<vmem>>, %arg14: memref<10000x128xf32, #tpu.memory_space<vmem_shared>>, %arg15: memref<!tpu.dma_semaphore, #tpu.memory_space<semaphore_mem>>, %arg16: memref<!tpu.dma_semaphore, #tpu.memory_space<semaphore_mem>>, %arg17: memref<!tpu.dma_semaphore, #tpu.memory_space<semaphore_mem>>, %arg18: memref<!tpu.dma_semaphore, #tpu.memory_space<semaphore_mem>>) attributes {dimension_semantics = [#tpu.dimension_semantics<core_parallel>, #tpu.dimension_semantics<subcore_parallel>], iteration_bounds = array<i64: 2, 16>, scalar_prefetch = 0 : i64, scratch_operands = 12 : i64, tpu.core_type = #tpu.core_type<sc_vector_subcore>, window_params = [{transform_indices = #map}, {transform_indices = #map1}, {transform_indices = #map}, {transform_indices = #map2}, {transform_indices = #map2}]} {
    %mul3A = arith.constant 624 : i32
    %mul3A_0 = arith.muli %arg1, %mul3A : i32
    %mul3A_1 = arith.constant 16 : i32
    %mul3A_2 = arith.muli %arg0, %mul3A_1 : i32
    %add3A = arith.addi %mul3A_2, %arg1 : i32
    %mul3A_3 = arith.constant 125 : i32
    %mul3A_4 = arith.muli %add3A, %mul3A_3 : i32
    %lt3A = arith.constant 15 : i32
    %lt3A_5 = arith.cmpi slt, %arg1, %lt3A : i32
    %convert_element_type3A = arith.extui %lt3A_5 : i1 to i32
    %cond3A = arith.constant 0 : i32
    %cond3A_6 = arith.cmpi ne, %convert_element_type3A, %cond3A : i32
    scf.if %cond3A_6 {
      "tpu.region"() ({
        %run_scoped3A = tpu.sem_alloc : memref<!tpu.dma_semaphore, #tpu.memory_space<semaphore_mem>>
        %dma_start3A_186 = arith.constant 0 : i32
        %dma_start3A_187 = tpu.memref_slice %arg14[%mul3A_0, %dma_start3A_186] : memref<10000x128xf32, #tpu.memory_space<vmem_shared>> -> memref<624x128xf32, #tpu.memory_space<vmem_shared>>
        %dma_start3A_188 = arith.constant 0 : i32
        %dma_start3A_189 = tpu.memref_slice %arg4[%mul3A_0, %dma_start3A_188] : memref<10000x128xf32, #tpu.memory_space<hbm>> -> memref<624x128xf32, #tpu.memory_space<hbm>>
        tpu.enqueue_dma source(%dma_start3A_189 : memref<624x128xf32, #tpu.memory_space<hbm>>) target(%dma_start3A_187 : memref<624x128xf32, #tpu.memory_space<vmem_shared>>) target_semaphore(%run_scoped3A : memref<!tpu.dma_semaphore, #tpu.memory_space<semaphore_mem>>)
        %dma_wait3A_190 = arith.constant 0 : i32
        %dma_wait3A_191 = tpu.memref_slice %arg14[%mul3A_0, %dma_wait3A_190] : memref<10000x128xf32, #tpu.memory_space<vmem_shared>> -> memref<624x128xf32, #tpu.memory_space<vmem_shared>>
        %dma_wait3A_192 = arith.constant 0 : i32
        %dma_wait3A_193 = tpu.memref_slice %arg4[%mul3A_0, %dma_wait3A_192] : memref<10000x128xf32, #tpu.memory_space<hbm>> -> memref<624x128xf32, #tpu.memory_space<hbm>>
        tpu.wait_dma2 semaphore(%run_scoped3A : memref<!tpu.dma_semaphore, #tpu.memory_space<semaphore_mem>>) src(%dma_wait3A_193 : memref<624x128xf32, #tpu.memory_space<hbm>>) dst(%dma_wait3A_191 : memref<624x128xf32, #tpu.memory_space<vmem_shared>>)
        tpu.yield
      }) : () -> ()
    } else {
    }
    %eq3A = arith.constant 15 : i32
    %eq3A_7 = arith.cmpi eq, %arg1, %eq3A : i32
    %convert_element_type3A_8 = arith.extui %eq3A_7 : i1 to i32
    %cond3A_9 = arith.constant 0 : i32
    %cond3A_10 = arith.cmpi ne, %convert_element_type3A_8, %cond3A_9 : i32
    scf.if %cond3A_10 {
      "tpu.region"() ({
        %run_scoped3A = tpu.sem_alloc : memref<!tpu.dma_semaphore, #tpu.memory_space<semaphore_mem>>
        %dma_start3A_186 = arith.constant 0 : i32
        %dma_start3A_187 = tpu.memref_slice %arg14[%mul3A_0, %dma_start3A_186] : memref<10000x128xf32, #tpu.memory_space<vmem_shared>> -> memref<640x128xf32, #tpu.memory_space<vmem_shared>>
        %dma_start3A_188 = arith.constant 0 : i32
        %dma_start3A_189 = tpu.memref_slice %arg4[%mul3A_0, %dma_start3A_188] : memref<10000x128xf32, #tpu.memory_space<hbm>> -> memref<640x128xf32, #tpu.memory_space<hbm>>
        tpu.enqueue_dma source(%dma_start3A_189 : memref<640x128xf32, #tpu.memory_space<hbm>>) target(%dma_start3A_187 : memref<640x128xf32, #tpu.memory_space<vmem_shared>>) target_semaphore(%run_scoped3A : memref<!tpu.dma_semaphore, #tpu.memory_space<semaphore_mem>>)
        %dma_wait3A_190 = arith.constant 0 : i32
        %dma_wait3A_191 = tpu.memref_slice %arg14[%mul3A_0, %dma_wait3A_190] : memref<10000x128xf32, #tpu.memory_space<vmem_shared>> -> memref<640x128xf32, #tpu.memory_space<vmem_shared>>
        %dma_wait3A_192 = arith.constant 0 : i32
        %dma_wait3A_193 = tpu.memref_slice %arg4[%mul3A_0, %dma_wait3A_192] : memref<10000x128xf32, #tpu.memory_space<hbm>> -> memref<640x128xf32, #tpu.memory_space<hbm>>
        tpu.wait_dma2 semaphore(%run_scoped3A : memref<!tpu.dma_semaphore, #tpu.memory_space<semaphore_mem>>) src(%dma_wait3A_193 : memref<640x128xf32, #tpu.memory_space<hbm>>) dst(%dma_wait3A_191 : memref<640x128xf32, #tpu.memory_space<vmem_shared>>)
        tpu.yield
      }) : () -> ()
    } else {
    }
    %scan3A = arith.constant 0 : i32
    %scan3A_11 = arith.constant 0 : i32
    %scan3A_12 = arith.constant 80 : i32
    %scan3A_13 = arith.addi %scan3A_11, %scan3A_12 : i32
    %scan3A_14 = arith.constant 1 : i32
    scf.for %scan3A_186 = %scan3A_11 to %scan3A_13 step %scan3A_14  : i32 {
      %scan3A_187 = arith.constant 0 : i32
      %scan3A_188 = arith.constant 8 : i32
      %scan3A_189 = arith.addi %scan3A_187, %scan3A_188 : i32
      %scan3A_190 = arith.constant 1 : i32
      scf.for %scan3A_192 = %scan3A_187 to %scan3A_189 step %scan3A_190  : i32 {
        %broadcast_in_dim3A = arith.constant 1.000000e+00 : f32
        %broadcast_in_dim3A_193 = vector.broadcast %broadcast_in_dim3A : f32 to vector<16xf32>
        %mul3A_194 = arith.constant 16 : i32
        %mul3A_195 = arith.muli %scan3A_192, %mul3A_194 : i32
        %swap3A_196 = arith.index_cast %scan3A_186 : i32 to index
        %swap3A_197 = arith.index_cast %mul3A_195 : i32 to index
        %swap3A_198 = tpu.vector_load %arg13[%swap3A_196, %swap3A_197] {strides = array<i32>} : memref<80x128xf32, #tpu.memory_space<vmem>>, vector<1x16xf32>,
        %swap3A_199 = vector.shape_cast %swap3A_198 : vector<1x16xf32> to vector<16xf32>
        %swap3A_200 = vector.shape_cast %broadcast_in_dim3A_193 : vector<16xf32> to vector<1x16xf32>
        tpu.vector_store %arg13[%swap3A_196, %swap3A_197], %swap3A_200 {strides = array<i32>} : memref<80x128xf32, #tpu.memory_space<vmem>>, vector<1x16xf32>,
      }
      %scan3A_191 = arith.constant 8 : i32
    }
    %scan3A_15 = arith.constant 80 : i32
    %barrier3A = arith.constant 0 : index
    tpu.barrier barrier_id(%barrier3A)
    %mul3A_16 = arith.constant 160 : i32
    %mul3A_17 = arith.muli %mul3A_4, %mul3A_16 : i32
    %dma_start3A = tpu.memref_slice %arg3[%mul3A_17] : memref<640000xi32, #tpu.memory_space<hbm>> -> memref<160xi32, #tpu.memory_space<hbm>>
    %dma_start3A_18 = tpu.memref_slice %arg3[%mul3A_17] : memref<640000xi32, #tpu.memory_space<hbm>> -> memref<160xi32, #tpu.memory_space<hbm>>
    tpu.enqueue_dma source(%dma_start3A_18 : memref<160xi32, #tpu.memory_space<hbm>>) target(%arg7 : memref<160xi32, #tpu.memory_space<vmem>>) target_semaphore(%arg17 : memref<!tpu.dma_semaphore, #tpu.memory_space<semaphore_mem>>)
    %dma_wait3A = arith.constant 0 : i32
    %dma_wait3A_19 = tpu.memref_slice %arg3[%dma_wait3A] : memref<640000xi32, #tpu.memory_space<hbm>> -> memref<160xi32, #tpu.memory_space<hbm>>
    %dma_wait3A_20 = arith.constant 0 : i32
    %dma_wait3A_21 = tpu.memref_slice %arg3[%dma_wait3A_20] : memref<640000xi32, #tpu.memory_space<hbm>> -> memref<160xi32, #tpu.memory_space<hbm>>
    tpu.wait_dma2 semaphore(%arg17 : memref<!tpu.dma_semaphore, #tpu.memory_space<semaphore_mem>>) src(%dma_wait3A_21 : memref<160xi32, #tpu.memory_space<hbm>>) dst(%arg7 : memref<160xi32, #tpu.memory_space<vmem>>)
    %get3A = arith.constant 80 : index
    %get3A_22 = tpu.vector_load %arg7[%get3A] {strides = array<i32>} : memref<160xi32, #tpu.memory_space<vmem>>, vector<16xi32>,
    %get3A_23 = vector.shape_cast %get3A_22 : vector<16xi32> to vector<16xi32>
    %swap3A = arith.constant 0 : index
    %swap3A_24 = tpu.vector_load %arg9[%swap3A] {strides = array<i32>} : memref<80xi32, #tpu.memory_space<vmem>>, vector<16xi32>,
    %swap3A_25 = vector.shape_cast %swap3A_24 : vector<16xi32> to vector<16xi32>
    %swap3A_26 = vector.shape_cast %get3A_23 : vector<16xi32> to vector<16xi32>
    tpu.vector_store %arg9[%swap3A], %swap3A_26 {strides = array<i32>} : memref<80xi32, #tpu.memory_space<vmem>>, vector<16xi32>,
    %get3A_27 = arith.constant 96 : index
    %get3A_28 = tpu.vector_load %arg7[%get3A_27] {strides = array<i32>} : memref<160xi32, #tpu.memory_space<vmem>>, vector<16xi32>,
    %get3A_29 = vector.shape_cast %get3A_28 : vector<16xi32> to vector<16xi32>
    %swap3A_30 = arith.constant 16 : index
    %swap3A_31 = tpu.vector_load %arg9[%swap3A_30] {strides = array<i32>} : memref<80xi32, #tpu.memory_space<vmem>>, vector<16xi32>,
    %swap3A_32 = vector.shape_cast %swap3A_31 : vector<16xi32> to vector<16xi32>
    %swap3A_33 = vector.shape_cast %get3A_29 : vector<16xi32> to vector<16xi32>
    tpu.vector_store %arg9[%swap3A_30], %swap3A_33 {strides = array<i32>} : memref<80xi32, #tpu.memory_space<vmem>>, vector<16xi32>,
    %get3A_34 = arith.constant 112 : index
    %get3A_35 = tpu.vector_load %arg7[%get3A_34] {strides = array<i32>} : memref<160xi32, #tpu.memory_space<vmem>>, vector<16xi32>,
    %get3A_36 = vector.shape_cast %get3A_35 : vector<16xi32> to vector<16xi32>
    %swap3A_37 = arith.constant 32 : index
    %swap3A_38 = tpu.vector_load %arg9[%swap3A_37] {strides = array<i32>} : memref<80xi32, #tpu.memory_space<vmem>>, vector<16xi32>,
    %swap3A_39 = vector.shape_cast %swap3A_38 : vector<16xi32> to vector<16xi32>
    %swap3A_40 = vector.shape_cast %get3A_36 : vector<16xi32> to vector<16xi32>
    tpu.vector_store %arg9[%swap3A_37], %swap3A_40 {strides = array<i32>} : memref<80xi32, #tpu.memory_space<vmem>>, vector<16xi32>,
    %get3A_41 = arith.constant 128 : index
    %get3A_42 = tpu.vector_load %arg7[%get3A_41] {strides = array<i32>} : memref<160xi32, #tpu.memory_space<vmem>>, vector<16xi32>,
    %get3A_43 = vector.shape_cast %get3A_42 : vector<16xi32> to vector<16xi32>
    %swap3A_44 = arith.constant 48 : index
    %swap3A_45 = tpu.vector_load %arg9[%swap3A_44] {strides = array<i32>} : memref<80xi32, #tpu.memory_space<vmem>>, vector<16xi32>,
    %swap3A_46 = vector.shape_cast %swap3A_45 : vector<16xi32> to vector<16xi32>
    %swap3A_47 = vector.shape_cast %get3A_43 : vector<16xi32> to vector<16xi32>
    tpu.vector_store %arg9[%swap3A_44], %swap3A_47 {strides = array<i32>} : memref<80xi32, #tpu.memory_space<vmem>>, vector<16xi32>,
    %get3A_48 = arith.constant 144 : index
    %get3A_49 = tpu.vector_load %arg7[%get3A_48] {strides = array<i32>} : memref<160xi32, #tpu.memory_space<vmem>>, vector<16xi32>,
    %get3A_50 = vector.shape_cast %get3A_49 : vector<16xi32> to vector<16xi32>
    %swap3A_51 = arith.constant 64 : index
    %swap3A_52 = tpu.vector_load %arg9[%swap3A_51] {strides = array<i32>} : memref<80xi32, #tpu.memory_space<vmem>>, vector<16xi32>,
    %swap3A_53 = vector.shape_cast %swap3A_52 : vector<16xi32> to vector<16xi32>
    %swap3A_54 = vector.shape_cast %get3A_50 : vector<16xi32> to vector<16xi32>
    tpu.vector_store %arg9[%swap3A_51], %swap3A_54 {strides = array<i32>} : memref<80xi32, #tpu.memory_space<vmem>>, vector<16xi32>,
    %dma_start3A_55 = arith.constant 0 : i32
    %dma_start3A_56 = tpu.memref_slice %arg7[%dma_start3A_55] : memref<160xi32, #tpu.memory_space<vmem>> -> memref<80xi32, #tpu.memory_space<vmem>>
    %dma_start3A_57 = arith.constant 0 : i32
    %dma_start3A_58 = arith.constant 0 : i32
    %dma_start3A_59 = tpu.memref_slice %arg2[%dma_start3A_57, %dma_start3A_58] : memref<10000x128xf32, #tpu.memory_space<hbm>> -> memref<10000x128xf32, #tpu.memory_space<hbm>>
    tpu.enqueue_indirect_dma source(%dma_start3A_59 : memref<10000x128xf32, #tpu.memory_space<hbm>>) target(%arg11 : memref<80x128xf32, #tpu.memory_space<vmem>>) offsets(%dma_start3A_56 : memref<80xi32, #tpu.memory_space<vmem>>) semaphore(%arg15 : memref<!tpu.dma_semaphore, #tpu.memory_space<semaphore_mem>>)
    %add3A_60 = arith.constant 1 : i32
    %add3A_61 = arith.addi %mul3A_4, %add3A_60 : i32
    %mul3A_62 = arith.constant 160 : i32
    %mul3A_63 = arith.muli %add3A_61, %mul3A_62 : i32
    %dma_start3A_64 = tpu.memref_slice %arg3[%mul3A_63] : memref<640000xi32, #tpu.memory_space<hbm>> -> memref<160xi32, #tpu.memory_space<hbm>>
    %dma_start3A_65 = tpu.memref_slice %arg3[%mul3A_63] : memref<640000xi32, #tpu.memory_space<hbm>> -> memref<160xi32, #tpu.memory_space<hbm>>
    tpu.enqueue_dma source(%dma_start3A_65 : memref<160xi32, #tpu.memory_space<hbm>>) target(%arg8 : memref<160xi32, #tpu.memory_space<vmem>>) target_semaphore(%arg18 : memref<!tpu.dma_semaphore, #tpu.memory_space<semaphore_mem>>)
    %add3A_66 = arith.constant 125 : i32
    %add3A_67 = arith.addi %mul3A_4, %add3A_66 : i32
    %sub3A = arith.constant 1 : i32
    %sub3A_68 = arith.subi %add3A_67, %sub3A : i32
    %scan3A_69 = arith.constant 0 : i32
    %scan3A_70 = arith.constant 0 : i32
    %scan3A_71 = arith.constant 62 : i32
    %scan3A_72 = arith.addi %scan3A_70, %scan3A_71 : i32
    %scan3A_73 = arith.constant 1 : i32
    scf.for %scan3A_186 = %scan3A_70 to %scan3A_72 step %scan3A_73  : i32 {
      %mul3A_187 = arith.constant 2 : i32
      %mul3A_188 = arith.muli %mul3A_187, %scan3A_186 : i32
      %add3A_189 = arith.addi %mul3A_4, %mul3A_188 : i32
      %dma_wait3A_190 = arith.constant 0 : i32
      %dma_wait3A_191 = tpu.memref_slice %arg3[%dma_wait3A_190] : memref<640000xi32, #tpu.memory_space<hbm>> -> memref<160xi32, #tpu.memory_space<hbm>>
      %dma_wait3A_192 = arith.constant 0 : i32
      %dma_wait3A_193 = tpu.memref_slice %arg3[%dma_wait3A_192] : memref<640000xi32, #tpu.memory_space<hbm>> -> memref<160xi32, #tpu.memory_space<hbm>>
      tpu.wait_dma2 semaphore(%arg18 : memref<!tpu.dma_semaphore, #tpu.memory_space<semaphore_mem>>) src(%dma_wait3A_193 : memref<160xi32, #tpu.memory_space<hbm>>) dst(%arg8 : memref<160xi32, #tpu.memory_space<vmem>>)
      %get3A_194 = arith.constant 80 : index
      %get3A_195 = tpu.vector_load %arg8[%get3A_194] {strides = array<i32>} : memref<160xi32, #tpu.memory_space<vmem>>, vector<16xi32>,
      %get3A_196 = vector.shape_cast %get3A_195 : vector<16xi32> to vector<16xi32>
      %swap3A_197 = arith.constant 0 : index
      %swap3A_198 = tpu.vector_load %arg10[%swap3A_197] {strides = array<i32>} : memref<80xi32, #tpu.memory_space<vmem>>, vector<16xi32>,
      %swap3A_199 = vector.shape_cast %swap3A_198 : vector<16xi32> to vector<16xi32>
      %swap3A_200 = vector.shape_cast %get3A_196 : vector<16xi32> to vector<16xi32>
      tpu.vector_store %arg10[%swap3A_197], %swap3A_200 {strides = array<i32>} : memref<80xi32, #tpu.memory_space<vmem>>, vector<16xi32>,
      %get3A_201 = arith.constant 96 : index
      %get3A_202 = tpu.vector_load %arg8[%get3A_201] {strides = array<i32>} : memref<160xi32, #tpu.memory_space<vmem>>, vector<16xi32>,
      %get3A_203 = vector.shape_cast %get3A_202 : vector<16xi32> to vector<16xi32>
      %swap3A_204 = arith.constant 16 : index
      %swap3A_205 = tpu.vector_load %arg10[%swap3A_204] {strides = array<i32>} : memref<80xi32, #tpu.memory_space<vmem>>, vector<16xi32>,
      %swap3A_206 = vector.shape_cast %swap3A_205 : vector<16xi32> to vector<16xi32>
      %swap3A_207 = vector.shape_cast %get3A_203 : vector<16xi32> to vector<16xi32>
      tpu.vector_store %arg10[%swap3A_204], %swap3A_207 {strides = array<i32>} : memref<80xi32, #tpu.memory_space<vmem>>, vector<16xi32>,
      %get3A_208 = arith.constant 112 : index
      %get3A_209 = tpu.vector_load %arg8[%get3A_208] {strides = array<i32>} : memref<160xi32, #tpu.memory_space<vmem>>, vector<16xi32>,
      %get3A_210 = vector.shape_cast %get3A_209 : vector<16xi32> to vector<16xi32>
      %swap3A_211 = arith.constant 32 : index
      %swap3A_212 = tpu.vector_load %arg10[%swap3A_211] {strides = array<i32>} : memref<80xi32, #tpu.memory_space<vmem>>, vector<16xi32>,
      %swap3A_213 = vector.shape_cast %swap3A_212 : vector<16xi32> to vector<16xi32>
      %swap3A_214 = vector.shape_cast %get3A_210 : vector<16xi32> to vector<16xi32>
      tpu.vector_store %arg10[%swap3A_211], %swap3A_214 {strides = array<i32>} : memref<80xi32, #tpu.memory_space<vmem>>, vector<16xi32>,
      %get3A_215 = arith.constant 128 : index
      %get3A_216 = tpu.vector_load %arg8[%get3A_215] {strides = array<i32>} : memref<160xi32, #tpu.memory_space<vmem>>, vector<16xi32>,
      %get3A_217 = vector.shape_cast %get3A_216 : vector<16xi32> to vector<16xi32>
      %swap3A_218 = arith.constant 48 : index
      %swap3A_219 = tpu.vector_load %arg10[%swap3A_218] {strides = array<i32>} : memref<80xi32, #tpu.memory_space<vmem>>, vector<16xi32>,
      %swap3A_220 = vector.shape_cast %swap3A_219 : vector<16xi32> to vector<16xi32>
      %swap3A_221 = vector.shape_cast %get3A_217 : vector<16xi32> to vector<16xi32>
      tpu.vector_store %arg10[%swap3A_218], %swap3A_221 {strides = array<i32>} : memref<80xi32, #tpu.memory_space<vmem>>, vector<16xi32>,
      %get3A_222 = arith.constant 144 : index
      %get3A_223 = tpu.vector_load %arg8[%get3A_222] {strides = array<i32>} : memref<160xi32, #tpu.memory_space<vmem>>, vector<16xi32>,
      %get3A_224 = vector.shape_cast %get3A_223 : vector<16xi32> to vector<16xi32>
      %swap3A_225 = arith.constant 64 : index
      %swap3A_226 = tpu.vector_load %arg10[%swap3A_225] {strides = array<i32>} : memref<80xi32, #tpu.memory_space<vmem>>, vector<16xi32>,
      %swap3A_227 = vector.shape_cast %swap3A_226 : vector<16xi32> to vector<16xi32>
      %swap3A_228 = vector.shape_cast %get3A_224 : vector<16xi32> to vector<16xi32>
      tpu.vector_store %arg10[%swap3A_225], %swap3A_228 {strides = array<i32>} : memref<80xi32, #tpu.memory_space<vmem>>, vector<16xi32>,
      %dma_start3A_229 = arith.constant 0 : i32
      %dma_start3A_230 = tpu.memref_slice %arg8[%dma_start3A_229] : memref<160xi32, #tpu.memory_space<vmem>> -> memref<80xi32, #tpu.memory_space<vmem>>
      %dma_start3A_231 = arith.constant 0 : i32
      %dma_start3A_232 = arith.constant 0 : i32
      %dma_start3A_233 = tpu.memref_slice %arg2[%dma_start3A_231, %dma_start3A_232] : memref<10000x128xf32, #tpu.memory_space<hbm>> -> memref<10000x128xf32, #tpu.memory_space<hbm>>
      tpu.enqueue_indirect_dma source(%dma_start3A_233 : memref<10000x128xf32, #tpu.memory_space<hbm>>) target(%arg12 : memref<80x128xf32, #tpu.memory_space<vmem>>) offsets(%dma_start3A_230 : memref<80xi32, #tpu.memory_space<vmem>>) semaphore(%arg16 : memref<!tpu.dma_semaphore, #tpu.memory_space<semaphore_mem>>)
      %dma_wait3A_234 = arith.constant 0 : i32
      %dma_wait3A_235 = tpu.memref_slice %arg7[%dma_wait3A_234] : memref<160xi32, #tpu.memory_space<vmem>> -> memref<80xi32, #tpu.memory_space<vmem>>
      %dma_wait3A_236 = arith.constant 0 : i32
      %dma_wait3A_237 = arith.constant 0 : i32
      %dma_wait3A_238 = tpu.memref_slice %arg2[%dma_wait3A_236, %dma_wait3A_237] : memref<10000x128xf32, #tpu.memory_space<hbm>> -> memref<10000x128xf32, #tpu.memory_space<hbm>>
      tpu.wait_indirect_dma semaphore(%arg15 : memref<!tpu.dma_semaphore, #tpu.memory_space<semaphore_mem>>) src(%dma_wait3A_238 : memref<10000x128xf32, #tpu.memory_space<hbm>>) dst(%arg11 : memref<80x128xf32, #tpu.memory_space<vmem>>)
      %add3A_239 = arith.constant 2 : i32
      %add3A_240 = arith.addi %add3A_189, %add3A_239 : i32
      %mul3A_241 = arith.constant 160 : i32
      %mul3A_242 = arith.muli %add3A_240, %mul3A_241 : i32
      %dma_start3A_243 = tpu.memref_slice %arg3[%mul3A_242] : memref<640000xi32, #tpu.memory_space<hbm>> -> memref<160xi32, #tpu.memory_space<hbm>>
      %dma_start3A_244 = tpu.memref_slice %arg3[%mul3A_242] : memref<640000xi32, #tpu.memory_space<hbm>> -> memref<160xi32, #tpu.memory_space<hbm>>
      tpu.enqueue_dma source(%dma_start3A_244 : memref<160xi32, #tpu.memory_space<hbm>>) target(%arg7 : memref<160xi32, #tpu.memory_space<vmem>>) target_semaphore(%arg17 : memref<!tpu.dma_semaphore, #tpu.memory_space<semaphore_mem>>)
      "tpu.region"() ({
        %run_scoped3A = tpu.sem_alloc : memref<!tpu.dma_semaphore, #tpu.memory_space<semaphore_mem>>
        %dma_start3A_300 = arith.constant 0 : i32
        %dma_start3A_301 = arith.constant 0 : i32
        %dma_start3A_302 = tpu.memref_slice %arg14[%dma_start3A_300, %dma_start3A_301] : memref<10000x128xf32, #tpu.memory_space<vmem_shared>> -> memref<10000x128xf32, #tpu.memory_space<vmem_shared>>
        tpu.enqueue_indirect_dma source(%arg11 : memref<80x128xf32, #tpu.memory_space<vmem>>) target(%dma_start3A_302 : memref<10000x128xf32, #tpu.memory_space<vmem_shared>>) offsets(%arg9 : memref<80xi32, #tpu.memory_space<vmem>>) semaphore(%run_scoped3A : memref<!tpu.dma_semaphore, #tpu.memory_space<semaphore_mem>>) {add = true}
        %dma_wait3A_303 = arith.constant 0 : i32
        %dma_wait3A_304 = arith.constant 0 : i32
        %dma_wait3A_305 = tpu.memref_slice %arg14[%dma_wait3A_303, %dma_wait3A_304] : memref<10000x128xf32, #tpu.memory_space<vmem_shared>> -> memref<10000x128xf32, #tpu.memory_space<vmem_shared>>
        tpu.wait_indirect_dma semaphore(%run_scoped3A : memref<!tpu.dma_semaphore, #tpu.memory_space<semaphore_mem>>) src(%arg11 : memref<80x128xf32, #tpu.memory_space<vmem>>) dst(%dma_wait3A_305 : memref<10000x128xf32, #tpu.memory_space<vmem_shared>>)
        tpu.yield
      }) : () -> ()
      %dma_wait3A_245 = arith.constant 0 : i32
      %dma_wait3A_246 = tpu.memref_slice %arg3[%dma_wait3A_245] : memref<640000xi32, #tpu.memory_space<hbm>> -> memref<160xi32, #tpu.memory_space<hbm>>
      %dma_wait3A_247 = arith.constant 0 : i32
      %dma_wait3A_248 = tpu.memref_slice %arg3[%dma_wait3A_247] : memref<640000xi32, #tpu.memory_space<hbm>> -> memref<160xi32, #tpu.memory_space<hbm>>
      tpu.wait_dma2 semaphore(%arg17 : memref<!tpu.dma_semaphore, #tpu.memory_space<semaphore_mem>>) src(%dma_wait3A_248 : memref<160xi32, #tpu.memory_space<hbm>>) dst(%arg7 : memref<160xi32, #tpu.memory_space<vmem>>)
      %get3A_249 = arith.constant 80 : index
      %get3A_250 = tpu.vector_load %arg7[%get3A_249] {strides = array<i32>} : memref<160xi32, #tpu.memory_space<vmem>>, vector<16xi32>,
      %get3A_251 = vector.shape_cast %get3A_250 : vector<16xi32> to vector<16xi32>
      %swap3A_252 = arith.constant 0 : index
      %swap3A_253 = tpu.vector_load %arg9[%swap3A_252] {strides = array<i32>} : memref<80xi32, #tpu.memory_space<vmem>>, vector<16xi32>,
      %swap3A_254 = vector.shape_cast %swap3A_253 : vector<16xi32> to vector<16xi32>
      %swap3A_255 = vector.shape_cast %get3A_251 : vector<16xi32> to vector<16xi32>
      tpu.vector_store %arg9[%swap3A_252], %swap3A_255 {strides = array<i32>} : memref<80xi32, #tpu.memory_space<vmem>>, vector<16xi32>,
      %get3A_256 = arith.constant 96 : index
      %get3A_257 = tpu.vector_load %arg7[%get3A_256] {strides = array<i32>} : memref<160xi32, #tpu.memory_space<vmem>>, vector<16xi32>,
      %get3A_258 = vector.shape_cast %get3A_257 : vector<16xi32> to vector<16xi32>
      %swap3A_259 = arith.constant 16 : index
      %swap3A_260 = tpu.vector_load %arg9[%swap3A_259] {strides = array<i32>} : memref<80xi32, #tpu.memory_space<vmem>>, vector<16xi32>,
      %swap3A_261 = vector.shape_cast %swap3A_260 : vector<16xi32> to vector<16xi32>
      %swap3A_262 = vector.shape_cast %get3A_258 : vector<16xi32> to vector<16xi32>
      tpu.vector_store %arg9[%swap3A_259], %swap3A_262 {strides = array<i32>} : memref<80xi32, #tpu.memory_space<vmem>>, vector<16xi32>,
      %get3A_263 = arith.constant 112 : index
      %get3A_264 = tpu.vector_load %arg7[%get3A_263] {strides = array<i32>} : memref<160xi32, #tpu.memory_space<vmem>>, vector<16xi32>,
      %get3A_265 = vector.shape_cast %get3A_264 : vector<16xi32> to vector<16xi32>
      %swap3A_266 = arith.constant 32 : index
      %swap3A_267 = tpu.vector_load %arg9[%swap3A_266] {strides = array<i32>} : memref<80xi32, #tpu.memory_space<vmem>>, vector<16xi32>,
      %swap3A_268 = vector.shape_cast %swap3A_267 : vector<16xi32> to vector<16xi32>
      %swap3A_269 = vector.shape_cast %get3A_265 : vector<16xi32> to vector<16xi32>
      tpu.vector_store %arg9[%swap3A_266], %swap3A_269 {strides = array<i32>} : memref<80xi32, #tpu.memory_space<vmem>>, vector<16xi32>,
      %get3A_270 = arith.constant 128 : index
      %get3A_271 = tpu.vector_load %arg7[%get3A_270] {strides = array<i32>} : memref<160xi32, #tpu.memory_space<vmem>>, vector<16xi32>,
      %get3A_272 = vector.shape_cast %get3A_271 : vector<16xi32> to vector<16xi32>
      %swap3A_273 = arith.constant 48 : index
      %swap3A_274 = tpu.vector_load %arg9[%swap3A_273] {strides = array<i32>} : memref<80xi32, #tpu.memory_space<vmem>>, vector<16xi32>,
      %swap3A_275 = vector.shape_cast %swap3A_274 : vector<16xi32> to vector<16xi32>
      %swap3A_276 = vector.shape_cast %get3A_272 : vector<16xi32> to vector<16xi32>
      tpu.vector_store %arg9[%swap3A_273], %swap3A_276 {strides = array<i32>} : memref<80xi32, #tpu.memory_space<vmem>>, vector<16xi32>,
      %get3A_277 = arith.constant 144 : index
      %get3A_278 = tpu.vector_load %arg7[%get3A_277] {strides = array<i32>} : memref<160xi32, #tpu.memory_space<vmem>>, vector<16xi32>,
      %get3A_279 = vector.shape_cast %get3A_278 : vector<16xi32> to vector<16xi32>
      %swap3A_280 = arith.constant 64 : index
      %swap3A_281 = tpu.vector_load %arg9[%swap3A_280] {strides = array<i32>} : memref<80xi32, #tpu.memory_space<vmem>>, vector<16xi32>,
      %swap3A_282 = vector.shape_cast %swap3A_281 : vector<16xi32> to vector<16xi32>
      %swap3A_283 = vector.shape_cast %get3A_279 : vector<16xi32> to vector<16xi32>
      tpu.vector_store %arg9[%swap3A_280], %swap3A_283 {strides = array<i32>} : memref<80xi32, #tpu.memory_space<vmem>>, vector<16xi32>,
      %dma_start3A_284 = arith.constant 0 : i32
      %dma_start3A_285 = tpu.memref_slice %arg7[%dma_start3A_284] : memref<160xi32, #tpu.memory_space<vmem>> -> memref<80xi32, #tpu.memory_space<vmem>>
      %dma_start3A_286 = arith.constant 0 : i32
      %dma_start3A_287 = arith.constant 0 : i32
      %dma_start3A_288 = tpu.memref_slice %arg2[%dma_start3A_286, %dma_start3A_287] : memref<10000x128xf32, #tpu.memory_space<hbm>> -> memref<10000x128xf32, #tpu.memory_space<hbm>>
      tpu.enqueue_indirect_dma source(%dma_start3A_288 : memref<10000x128xf32, #tpu.memory_space<hbm>>) target(%arg11 : memref<80x128xf32, #tpu.memory_space<vmem>>) offsets(%dma_start3A_285 : memref<80xi32, #tpu.memory_space<vmem>>) semaphore(%arg15 : memref<!tpu.dma_semaphore, #tpu.memory_space<semaphore_mem>>)
      %dma_wait3A_289 = arith.constant 0 : i32
      %dma_wait3A_290 = tpu.memref_slice %arg7[%dma_wait3A_289] : memref<160xi32, #tpu.memory_space<vmem>> -> memref<80xi32, #tpu.memory_space<vmem>>
      %dma_wait3A_291 = arith.constant 0 : i32
      %dma_wait3A_292 = arith.constant 0 : i32
      %dma_wait3A_293 = tpu.memref_slice %arg2[%dma_wait3A_291, %dma_wait3A_292] : memref<10000x128xf32, #tpu.memory_space<hbm>> -> memref<10000x128xf32, #tpu.memory_space<hbm>>
      tpu.wait_indirect_dma semaphore(%arg16 : memref<!tpu.dma_semaphore, #tpu.memory_space<semaphore_mem>>) src(%dma_wait3A_293 : memref<10000x128xf32, #tpu.memory_space<hbm>>) dst(%arg12 : memref<80x128xf32, #tpu.memory_space<vmem>>)
      %add3A_294 = arith.constant 3 : i32
      %add3A_295 = arith.addi %add3A_189, %add3A_294 : i32
      %min3A = arith.minsi %add3A_295, %sub3A_68 : i32
      %mul3A_296 = arith.constant 160 : i32
      %mul3A_297 = arith.muli %min3A, %mul3A_296 : i32
      %dma_start3A_298 = tpu.memref_slice %arg3[%mul3A_297] : memref<640000xi32, #tpu.memory_space<hbm>> -> memref<160xi32, #tpu.memory_space<hbm>>
      %dma_start3A_299 = tpu.memref_slice %arg3[%mul3A_297] : memref<640000xi32, #tpu.memory_space<hbm>> -> memref<160xi32, #tpu.memory_space<hbm>>
      tpu.enqueue_dma source(%dma_start3A_299 : memref<160xi32, #tpu.memory_space<hbm>>) target(%arg8 : memref<160xi32, #tpu.memory_space<vmem>>) target_semaphore(%arg18 : memref<!tpu.dma_semaphore, #tpu.memory_space<semaphore_mem>>)
      "tpu.region"() ({
        %run_scoped3A = tpu.sem_alloc : memref<!tpu.dma_semaphore, #tpu.memory_space<semaphore_mem>>
        %dma_start3A_300 = arith.constant 0 : i32
        %dma_start3A_301 = arith.constant 0 : i32
        %dma_start3A_302 = tpu.memref_slice %arg14[%dma_start3A_300, %dma_start3A_301] : memref<10000x128xf32, #tpu.memory_space<vmem_shared>> -> memref<10000x128xf32, #tpu.memory_space<vmem_shared>>
        tpu.enqueue_indirect_dma source(%arg12 : memref<80x128xf32, #tpu.memory_space<vmem>>) target(%dma_start3A_302 : memref<10000x128xf32, #tpu.memory_space<vmem_shared>>) offsets(%arg10 : memref<80xi32, #tpu.memory_space<vmem>>) semaphore(%run_scoped3A : memref<!tpu.dma_semaphore, #tpu.memory_space<semaphore_mem>>) {add = true}
        %dma_wait3A_303 = arith.constant 0 : i32
        %dma_wait3A_304 = arith.constant 0 : i32
        %dma_wait3A_305 = tpu.memref_slice %arg14[%dma_wait3A_303, %dma_wait3A_304] : memref<10000x128xf32, #tpu.memory_space<vmem_shared>> -> memref<10000x128xf32, #tpu.memory_space<vmem_shared>>
        tpu.wait_indirect_dma semaphore(%run_scoped3A : memref<!tpu.dma_semaphore, #tpu.memory_space<semaphore_mem>>) src(%arg12 : memref<80x128xf32, #tpu.memory_space<vmem>>) dst(%dma_wait3A_305 : memref<10000x128xf32, #tpu.memory_space<vmem_shared>>)
        tpu.yield
      }) : () -> ()
    }
    %scan3A_74 = arith.constant 62 : i32
    %dma_wait3A_75 = arith.constant 0 : i32
    %dma_wait3A_76 = tpu.memref_slice %arg7[%dma_wait3A_75] : memref<160xi32, #tpu.memory_space<vmem>> -> memref<80xi32, #tpu.memory_space<vmem>>
    %dma_wait3A_77 = arith.constant 0 : i32
    %dma_wait3A_78 = arith.constant 0 : i32
    %dma_wait3A_79 = tpu.memref_slice %arg2[%dma_wait3A_77, %dma_wait3A_78] : memref<10000x128xf32, #tpu.memory_space<hbm>> -> memref<10000x128xf32, #tpu.memory_space<hbm>>
    tpu.wait_indirect_dma semaphore(%arg15 : memref<!tpu.dma_semaphore, #tpu.memory_space<semaphore_mem>>) src(%dma_wait3A_79 : memref<10000x128xf32, #tpu.memory_space<hbm>>) dst(%arg11 : memref<80x128xf32, #tpu.memory_space<vmem>>)
    "tpu.region"() ({
      %run_scoped3A = tpu.sem_alloc : memref<!tpu.dma_semaphore, #tpu.memory_space<semaphore_mem>>
      %dma_start3A_186 = arith.constant 0 : i32
      %dma_start3A_187 = arith.constant 0 : i32
      %dma_start3A_188 = tpu.memref_slice %arg14[%dma_start3A_186, %dma_start3A_187] : memref<10000x128xf32, #tpu.memory_space<vmem_shared>> -> memref<10000x128xf32, #tpu.memory_space<vmem_shared>>
      tpu.enqueue_indirect_dma source(%arg11 : memref<80x128xf32, #tpu.memory_space<vmem>>) target(%dma_start3A_188 : memref<10000x128xf32, #tpu.memory_space<vmem_shared>>) offsets(%arg9 : memref<80xi32, #tpu.memory_space<vmem>>) semaphore(%run_scoped3A : memref<!tpu.dma_semaphore, #tpu.memory_space<semaphore_mem>>) {add = true}
      %dma_wait3A_189 = arith.constant 0 : i32
      %dma_wait3A_190 = arith.constant 0 : i32
      %dma_wait3A_191 = tpu.memref_slice %arg14[%dma_wait3A_189, %dma_wait3A_190] : memref<10000x128xf32, #tpu.memory_space<vmem_shared>> -> memref<10000x128xf32, #tpu.memory_space<vmem_shared>>
      tpu.wait_indirect_dma semaphore(%run_scoped3A : memref<!tpu.dma_semaphore, #tpu.memory_space<semaphore_mem>>) src(%arg11 : memref<80x128xf32, #tpu.memory_space<vmem>>) dst(%dma_wait3A_191 : memref<10000x128xf32, #tpu.memory_space<vmem_shared>>)
      tpu.yield
    }) : () -> ()
    %dma_wait3A_80 = arith.constant 0 : i32
    %dma_wait3A_81 = tpu.memref_slice %arg3[%dma_wait3A_80] : memref<640000xi32, #tpu.memory_space<hbm>> -> memref<160xi32, #tpu.memory_space<hbm>>
    %dma_wait3A_82 = arith.constant 0 : i32
    %dma_wait3A_83 = tpu.memref_slice %arg3[%dma_wait3A_82] : memref<640000xi32, #tpu.memory_space<hbm>> -> memref<160xi32, #tpu.memory_space<hbm>>
    tpu.wait_dma2 semaphore(%arg18 : memref<!tpu.dma_semaphore, #tpu.memory_space<semaphore_mem>>) src(%dma_wait3A_83 : memref<160xi32, #tpu.memory_space<hbm>>) dst(%arg8 : memref<160xi32, #tpu.memory_space<vmem>>)
    %barrier3A_84 = arith.constant 0 : index
    tpu.barrier barrier_id(%barrier3A_84)
    %lt3A_85 = arith.constant 15 : i32
    %lt3A_86 = arith.cmpi slt, %arg1, %lt3A_85 : i32
    %convert_element_type3A_87 = arith.extui %lt3A_86 : i1 to i32
    %cond3A_88 = arith.constant 0 : i32
    %cond3A_89 = arith.cmpi ne, %convert_element_type3A_87, %cond3A_88 : i32
    scf.if %cond3A_89 {
      "tpu.region"() ({
        %run_scoped3A = tpu.sem_alloc : memref<!tpu.dma_semaphore, #tpu.memory_space<semaphore_mem>>
        %dma_start3A_186 = arith.constant 0 : i32
        %dma_start3A_187 = tpu.memref_slice %arg5[%arg0, %mul3A_0, %dma_start3A_186] : memref<2x10000x128xf32, #tpu.memory_space<hbm>> -> memref<1x624x128xf32, #tpu.memory_space<hbm>>
        %dma_start3A_188 = tpu.memref_squeeze %dma_start3A_187 : memref<1x624x128xf32, #tpu.memory_space<hbm>> -> memref<624x128xf32, #tpu.memory_space<hbm>>
        %dma_start3A_189 = arith.constant 0 : i32
        %dma_start3A_190 = tpu.memref_slice %arg14[%mul3A_0, %dma_start3A_189] : memref<10000x128xf32, #tpu.memory_space<vmem_shared>> -> memref<624x128xf32, #tpu.memory_space<vmem_shared>>
        tpu.enqueue_dma source(%dma_start3A_190 : memref<624x128xf32, #tpu.memory_space<vmem_shared>>) target(%dma_start3A_188 : memref<624x128xf32, #tpu.memory_space<hbm>>) target_semaphore(%run_scoped3A : memref<!tpu.dma_semaphore, #tpu.memory_space<semaphore_mem>>)
        %dma_wait3A_191 = arith.constant 0 : i32
        %dma_wait3A_192 = tpu.memref_slice %arg5[%arg0, %mul3A_0, %dma_wait3A_191] : memref<2x10000x128xf32, #tpu.memory_space<hbm>> -> memref<1x624x128xf32, #tpu.memory_space<hbm>>
        %dma_wait3A_193 = tpu.memref_squeeze %dma_wait3A_192 : memref<1x624x128xf32, #tpu.memory_space<hbm>> -> memref<624x128xf32, #tpu.memory_space<hbm>>
        %dma_wait3A_194 = arith.constant 0 : i32
        %dma_wait3A_195 = tpu.memref_slice %arg14[%mul3A_0, %dma_wait3A_194] : memref<10000x128xf32, #tpu.memory_space<vmem_shared>> -> memref<624x128xf32, #tpu.memory_space<vmem_shared>>
        tpu.wait_dma2 semaphore(%run_scoped3A : memref<!tpu.dma_semaphore, #tpu.memory_space<semaphore_mem>>) src(%dma_wait3A_195 : memref<624x128xf32, #tpu.memory_space<vmem_shared>>) dst(%dma_wait3A_193 : memref<624x128xf32, #tpu.memory_space<hbm>>)
        tpu.yield
      }) : () -> ()
    } else {
    }
    %eq3A_90 = arith.constant 15 : i32
    %eq3A_91 = arith.cmpi eq, %arg1, %eq3A_90 : i32
    %convert_element_type3A_92 = arith.extui %eq3A_91 : i1 to i32
    %cond3A_93 = arith.constant 0 : i32
    %cond3A_94 = arith.cmpi ne, %convert_element_type3A_92, %cond3A_93 : i32
    scf.if %cond3A_94 {
      "tpu.region"() ({
        %run_scoped3A = tpu.sem_alloc : memref<!tpu.dma_semaphore, #tpu.memory_space<semaphore_mem>>
        %dma_start3A_186 = arith.constant 0 : i32
        %dma_start3A_187 = tpu.memref_slice %arg5[%arg0, %mul3A_0, %dma_start3A_186] : memref<2x10000x128xf32, #tpu.memory_space<hbm>> -> memref<1x640x128xf32, #tpu.memory_space<hbm>>
        %dma_start3A_188 = tpu.memref_squeeze %dma_start3A_187 : memref<1x640x128xf32, #tpu.memory_space<hbm>> -> memref<640x128xf32, #tpu.memory_space<hbm>>
        %dma_start3A_189 = arith.constant 0 : i32
        %dma_start3A_190 = tpu.memref_slice %arg14[%mul3A_0, %dma_start3A_189] : memref<10000x128xf32, #tpu.memory_space<vmem_shared>> -> memref<640x128xf32, #tpu.memory_space<vmem_shared>>
        tpu.enqueue_dma source(%dma_start3A_190 : memref<640x128xf32, #tpu.memory_space<vmem_shared>>) target(%dma_start3A_188 : memref<640x128xf32, #tpu.memory_space<hbm>>) target_semaphore(%run_scoped3A : memref<!tpu.dma_semaphore, #tpu.memory_space<semaphore_mem>>)
        %dma_wait3A_191 = arith.constant 0 : i32
        %dma_wait3A_192 = tpu.memref_slice %arg5[%arg0, %mul3A_0, %dma_wait3A_191] : memref<2x10000x128xf32, #tpu.memory_space<hbm>> -> memref<1x640x128xf32, #tpu.memory_space<hbm>>
        %dma_wait3A_193 = tpu.memref_squeeze %dma_wait3A_192 : memref<1x640x128xf32, #tpu.memory_space<hbm>> -> memref<640x128xf32, #tpu.memory_space<hbm>>
        %dma_wait3A_194 = arith.constant 0 : i32
        %dma_wait3A_195 = tpu.memref_slice %arg14[%mul3A_0, %dma_wait3A_194] : memref<10000x128xf32, #tpu.memory_space<vmem_shared>> -> memref<640x128xf32, #tpu.memory_space<vmem_shared>>
        tpu.wait_dma2 semaphore(%run_scoped3A : memref<!tpu.dma_semaphore, #tpu.memory_space<semaphore_mem>>) src(%dma_wait3A_195 : memref<640x128xf32, #tpu.memory_space<vmem_shared>>) dst(%dma_wait3A_193 : memref<640x128xf32, #tpu.memory_space<hbm>>)
        tpu.yield
      }) : () -> ()
    } else {
    }
    %lt3A_95 = arith.constant 15 : i32
    %lt3A_96 = arith.cmpi slt, %arg1, %lt3A_95 : i32
    %convert_element_type3A_97 = arith.extui %lt3A_96 : i1 to i32
    %cond3A_98 = arith.constant 0 : i32
    %cond3A_99 = arith.cmpi ne, %convert_element_type3A_97, %cond3A_98 : i32
    scf.if %cond3A_99 {
      "tpu.region"() ({
        %run_scoped3A = tpu.sem_alloc : memref<!tpu.dma_semaphore, #tpu.memory_space<semaphore_mem>>
        %dma_start3A_186 = arith.constant 0 : i32
        %dma_start3A_187 = tpu.memref_slice %arg14[%mul3A_0, %dma_start3A_186] : memref<10000x128xf32, #tpu.memory_space<vmem_shared>> -> memref<624x128xf32, #tpu.memory_space<vmem_shared>>
        %dma_start3A_188 = arith.constant 0 : i32
        %dma_start3A_189 = tpu.memref_slice %arg4[%mul3A_0, %dma_start3A_188] : memref<10000x128xf32, #tpu.memory_space<hbm>> -> memref<624x128xf32, #tpu.memory_space<hbm>>
        tpu.enqueue_dma source(%dma_start3A_189 : memref<624x128xf32, #tpu.memory_space<hbm>>) target(%dma_start3A_187 : memref<624x128xf32, #tpu.memory_space<vmem_shared>>) target_semaphore(%run_scoped3A : memref<!tpu.dma_semaphore, #tpu.memory_space<semaphore_mem>>)
        %dma_wait3A_190 = arith.constant 0 : i32
        %dma_wait3A_191 = tpu.memref_slice %arg14[%mul3A_0, %dma_wait3A_190] : memref<10000x128xf32, #tpu.memory_space<vmem_shared>> -> memref<624x128xf32, #tpu.memory_space<vmem_shared>>
        %dma_wait3A_192 = arith.constant 0 : i32
        %dma_wait3A_193 = tpu.memref_slice %arg4[%mul3A_0, %dma_wait3A_192] : memref<10000x128xf32, #tpu.memory_space<hbm>> -> memref<624x128xf32, #tpu.memory_space<hbm>>
        tpu.wait_dma2 semaphore(%run_scoped3A : memref<!tpu.dma_semaphore, #tpu.memory_space<semaphore_mem>>) src(%dma_wait3A_193 : memref<624x128xf32, #tpu.memory_space<hbm>>) dst(%dma_wait3A_191 : memref<624x128xf32, #tpu.memory_space<vmem_shared>>)
        tpu.yield
      }) : () -> ()
    } else {
    }
    %eq3A_100 = arith.constant 15 : i32
    %eq3A_101 = arith.cmpi eq, %arg1, %eq3A_100 : i32
    %convert_element_type3A_102 = arith.extui %eq3A_101 : i1 to i32
    %cond3A_103 = arith.constant 0 : i32
    %cond3A_104 = arith.cmpi ne, %convert_element_type3A_102, %cond3A_103 : i32
    scf.if %cond3A_104 {
      "tpu.region"() ({
        %run_scoped3A = tpu.sem_alloc : memref<!tpu.dma_semaphore, #tpu.memory_space<semaphore_mem>>
        %dma_start3A_186 = arith.constant 0 : i32
        %dma_start3A_187 = tpu.memref_slice %arg14[%mul3A_0, %dma_start3A_186] : memref<10000x128xf32, #tpu.memory_space<vmem_shared>> -> memref<640x128xf32, #tpu.memory_space<vmem_shared>>
        %dma_start3A_188 = arith.constant 0 : i32
        %dma_start3A_189 = tpu.memref_slice %arg4[%mul3A_0, %dma_start3A_188] : memref<10000x128xf32, #tpu.memory_space<hbm>> -> memref<640x128xf32, #tpu.memory_space<hbm>>
        tpu.enqueue_dma source(%dma_start3A_189 : memref<640x128xf32, #tpu.memory_space<hbm>>) target(%dma_start3A_187 : memref<640x128xf32, #tpu.memory_space<vmem_shared>>) target_semaphore(%run_scoped3A : memref<!tpu.dma_semaphore, #tpu.memory_space<semaphore_mem>>)
        %dma_wait3A_190 = arith.constant 0 : i32
        %dma_wait3A_191 = tpu.memref_slice %arg14[%mul3A_0, %dma_wait3A_190] : memref<10000x128xf32, #tpu.memory_space<vmem_shared>> -> memref<640x128xf32, #tpu.memory_space<vmem_shared>>
        %dma_wait3A_192 = arith.constant 0 : i32
        %dma_wait3A_193 = tpu.memref_slice %arg4[%mul3A_0, %dma_wait3A_192] : memref<10000x128xf32, #tpu.memory_space<hbm>> -> memref<640x128xf32, #tpu.memory_space<hbm>>
        tpu.wait_dma2 semaphore(%run_scoped3A : memref<!tpu.dma_semaphore, #tpu.memory_space<semaphore_mem>>) src(%dma_wait3A_193 : memref<640x128xf32, #tpu.memory_space<hbm>>) dst(%dma_wait3A_191 : memref<640x128xf32, #tpu.memory_space<vmem_shared>>)
        tpu.yield
      }) : () -> ()
    } else {
    }
    %barrier3A_105 = arith.constant 0 : index
    tpu.barrier barrier_id(%barrier3A_105)
    %mul3A_106 = arith.constant 160 : i32
    %mul3A_107 = arith.muli %mul3A_4, %mul3A_106 : i32
    %dma_start3A_108 = tpu.memref_slice %arg3[%mul3A_107] : memref<640000xi32, #tpu.memory_space<hbm>> -> memref<160xi32, #tpu.memory_space<hbm>>
    %dma_start3A_109 = tpu.memref_slice %arg3[%mul3A_107] : memref<640000xi32, #tpu.memory_space<hbm>> -> memref<160xi32, #tpu.memory_space<hbm>>
    tpu.enqueue_dma source(%dma_start3A_109 : memref<160xi32, #tpu.memory_space<hbm>>) target(%arg7 : memref<160xi32, #tpu.memory_space<vmem>>) target_semaphore(%arg17 : memref<!tpu.dma_semaphore, #tpu.memory_space<semaphore_mem>>)
    %dma_wait3A_110 = arith.constant 0 : i32
    %dma_wait3A_111 = tpu.memref_slice %arg3[%dma_wait3A_110] : memref<640000xi32, #tpu.memory_space<hbm>> -> memref<160xi32, #tpu.memory_space<hbm>>
    %dma_wait3A_112 = arith.constant 0 : i32
    %dma_wait3A_113 = tpu.memref_slice %arg3[%dma_wait3A_112] : memref<640000xi32, #tpu.memory_space<hbm>> -> memref<160xi32, #tpu.memory_space<hbm>>
    tpu.wait_dma2 semaphore(%arg17 : memref<!tpu.dma_semaphore, #tpu.memory_space<semaphore_mem>>) src(%dma_wait3A_113 : memref<160xi32, #tpu.memory_space<hbm>>) dst(%arg7 : memref<160xi32, #tpu.memory_space<vmem>>)
    %get3A_114 = arith.constant 80 : index
    %get3A_115 = tpu.vector_load %arg7[%get3A_114] {strides = array<i32>} : memref<160xi32, #tpu.memory_space<vmem>>, vector<16xi32>,
    %get3A_116 = vector.shape_cast %get3A_115 : vector<16xi32> to vector<16xi32>
    %swap3A_117 = arith.constant 0 : index
    %swap3A_118 = tpu.vector_load %arg9[%swap3A_117] {strides = array<i32>} : memref<80xi32, #tpu.memory_space<vmem>>, vector<16xi32>,
    %swap3A_119 = vector.shape_cast %swap3A_118 : vector<16xi32> to vector<16xi32>
    %swap3A_120 = vector.shape_cast %get3A_116 : vector<16xi32> to vector<16xi32>
    tpu.vector_store %arg9[%swap3A_117], %swap3A_120 {strides = array<i32>} : memref<80xi32, #tpu.memory_space<vmem>>, vector<16xi32>,
    %get3A_121 = arith.constant 96 : index
    %get3A_122 = tpu.vector_load %arg7[%get3A_121] {strides = array<i32>} : memref<160xi32, #tpu.memory_space<vmem>>, vector<16xi32>,
    %get3A_123 = vector.shape_cast %get3A_122 : vector<16xi32> to vector<16xi32>
    %swap3A_124 = arith.constant 16 : index
    %swap3A_125 = tpu.vector_load %arg9[%swap3A_124] {strides = array<i32>} : memref<80xi32, #tpu.memory_space<vmem>>, vector<16xi32>,
    %swap3A_126 = vector.shape_cast %swap3A_125 : vector<16xi32> to vector<16xi32>
    %swap3A_127 = vector.shape_cast %get3A_123 : vector<16xi32> to vector<16xi32>
    tpu.vector_store %arg9[%swap3A_124], %swap3A_127 {strides = array<i32>} : memref<80xi32, #tpu.memory_space<vmem>>, vector<16xi32>,
    %get3A_128 = arith.constant 112 : index
    %get3A_129 = tpu.vector_load %arg7[%get3A_128] {strides = array<i32>} : memref<160xi32, #tpu.memory_space<vmem>>, vector<16xi32>,
    %get3A_130 = vector.shape_cast %get3A_129 : vector<16xi32> to vector<16xi32>
    %swap3A_131 = arith.constant 32 : index
    %swap3A_132 = tpu.vector_load %arg9[%swap3A_131] {strides = array<i32>} : memref<80xi32, #tpu.memory_space<vmem>>, vector<16xi32>,
    %swap3A_133 = vector.shape_cast %swap3A_132 : vector<16xi32> to vector<16xi32>
    %swap3A_134 = vector.shape_cast %get3A_130 : vector<16xi32> to vector<16xi32>
    tpu.vector_store %arg9[%swap3A_131], %swap3A_134 {strides = array<i32>} : memref<80xi32, #tpu.memory_space<vmem>>, vector<16xi32>,
    %get3A_135 = arith.constant 128 : index
    %get3A_136 = tpu.vector_load %arg7[%get3A_135] {strides = array<i32>} : memref<160xi32, #tpu.memory_space<vmem>>, vector<16xi32>,
    %get3A_137 = vector.shape_cast %get3A_136 : vector<16xi32> to vector<16xi32>
    %swap3A_138 = arith.constant 48 : index
    %swap3A_139 = tpu.vector_load %arg9[%swap3A_138] {strides = array<i32>} : memref<80xi32, #tpu.memory_space<vmem>>, vector<16xi32>,
    %swap3A_140 = vector.shape_cast %swap3A_139 : vector<16xi32> to vector<16xi32>
    %swap3A_141 = vector.shape_cast %get3A_137 : vector<16xi32> to vector<16xi32>
    tpu.vector_store %arg9[%swap3A_138], %swap3A_141 {strides = array<i32>} : memref<80xi32, #tpu.memory_space<vmem>>, vector<16xi32>,
    %get3A_142 = arith.constant 144 : index
    %get3A_143 = tpu.vector_load %arg7[%get3A_142] {strides = array<i32>} : memref<160xi32, #tpu.memory_space<vmem>>, vector<16xi32>,
    %get3A_144 = vector.shape_cast %get3A_143 : vector<16xi32> to vector<16xi32>
    %swap3A_145 = arith.constant 64 : index
    %swap3A_146 = tpu.vector_load %arg9[%swap3A_145] {strides = array<i32>} : memref<80xi32, #tpu.memory_space<vmem>>, vector<16xi32>,
    %swap3A_147 = vector.shape_cast %swap3A_146 : vector<16xi32> to vector<16xi32>
    %swap3A_148 = vector.shape_cast %get3A_144 : vector<16xi32> to vector<16xi32>
    tpu.vector_store %arg9[%swap3A_145], %swap3A_148 {strides = array<i32>} : memref<80xi32, #tpu.memory_space<vmem>>, vector<16xi32>,
    %add3A_149 = arith.constant 2 : i32
    %add3A_150 = arith.addi %mul3A_4, %add3A_149 : i32
    %mul3A_151 = arith.constant 160 : i32
    %mul3A_152 = arith.muli %add3A_150, %mul3A_151 : i32
    %dma_start3A_153 = tpu.memref_slice %arg3[%mul3A_152] : memref<640000xi32, #tpu.memory_space<hbm>> -> memref<160xi32, #tpu.memory_space<hbm>>
    %dma_start3A_154 = tpu.memref_slice %arg3[%mul3A_152] : memref<640000xi32, #tpu.memory_space<hbm>> -> memref<160xi32, #tpu.memory_space<hbm>>
    tpu.enqueue_dma source(%dma_start3A_154 : memref<160xi32, #tpu.memory_space<hbm>>) target(%arg7 : memref<160xi32, #tpu.memory_space<vmem>>) target_semaphore(%arg17 : memref<!tpu.dma_semaphore, #tpu.memory_space<semaphore_mem>>)
    %add3A_155 = arith.constant 1 : i32
    %add3A_156 = arith.addi %mul3A_4, %add3A_155 : i32
    %mul3A_157 = arith.constant 160 : i32
    %mul3A_158 = arith.muli %add3A_156, %mul3A_157 : i32
    %dma_start3A_159 = tpu.memref_slice %arg3[%mul3A_158] : memref<640000xi32, #tpu.memory_space<hbm>> -> memref<160xi32, #tpu.memory_space<hbm>>
    %dma_start3A_160 = tpu.memref_slice %arg3[%mul3A_158] : memref<640000xi32, #tpu.memory_space<hbm>> -> memref<160xi32, #tpu.memory_space<hbm>>
    tpu.enqueue_dma source(%dma_start3A_160 : memref<160xi32, #tpu.memory_space<hbm>>) target(%arg8 : memref<160xi32, #tpu.memory_space<vmem>>) target_semaphore(%arg18 : memref<!tpu.dma_semaphore, #tpu.memory_space<semaphore_mem>>)
    %scan3A_161 = arith.constant 0 : i32
    %scan3A_162 = arith.constant 0 : i32
    %scan3A_163 = arith.constant 62 : i32
    %scan3A_164 = arith.addi %scan3A_162, %scan3A_163 : i32
    %scan3A_165 = arith.constant 1 : i32
    scf.for %scan3A_186 = %scan3A_162 to %scan3A_164 step %scan3A_165  : i32 {
      %mul3A_187 = arith.constant 2 : i32
      %mul3A_188 = arith.muli %mul3A_187, %scan3A_186 : i32
      %add3A_189 = arith.addi %mul3A_4, %mul3A_188 : i32
      %dma_wait3A_190 = arith.constant 0 : i32
      %dma_wait3A_191 = tpu.memref_slice %arg3[%dma_wait3A_190] : memref<640000xi32, #tpu.memory_space<hbm>> -> memref<160xi32, #tpu.memory_space<hbm>>
      %dma_wait3A_192 = arith.constant 0 : i32
      %dma_wait3A_193 = tpu.memref_slice %arg3[%dma_wait3A_192] : memref<640000xi32, #tpu.memory_space<hbm>> -> memref<160xi32, #tpu.memory_space<hbm>>
      tpu.wait_dma2 semaphore(%arg18 : memref<!tpu.dma_semaphore, #tpu.memory_space<semaphore_mem>>) src(%dma_wait3A_193 : memref<160xi32, #tpu.memory_space<hbm>>) dst(%arg8 : memref<160xi32, #tpu.memory_space<vmem>>)
      %get3A_194 = arith.constant 80 : index
      %get3A_195 = tpu.vector_load %arg8[%get3A_194] {strides = array<i32>} : memref<160xi32, #tpu.memory_space<vmem>>, vector<16xi32>,
      %get3A_196 = vector.shape_cast %get3A_195 : vector<16xi32> to vector<16xi32>
      %swap3A_197 = arith.constant 0 : index
      %swap3A_198 = tpu.vector_load %arg10[%swap3A_197] {strides = array<i32>} : memref<80xi32, #tpu.memory_space<vmem>>, vector<16xi32>,
      %swap3A_199 = vector.shape_cast %swap3A_198 : vector<16xi32> to vector<16xi32>
      %swap3A_200 = vector.shape_cast %get3A_196 : vector<16xi32> to vector<16xi32>
      tpu.vector_store %arg10[%swap3A_197], %swap3A_200 {strides = array<i32>} : memref<80xi32, #tpu.memory_space<vmem>>, vector<16xi32>,
      %get3A_201 = arith.constant 96 : index
      %get3A_202 = tpu.vector_load %arg8[%get3A_201] {strides = array<i32>} : memref<160xi32, #tpu.memory_space<vmem>>, vector<16xi32>,
      %get3A_203 = vector.shape_cast %get3A_202 : vector<16xi32> to vector<16xi32>
      %swap3A_204 = arith.constant 16 : index
      %swap3A_205 = tpu.vector_load %arg10[%swap3A_204] {strides = array<i32>} : memref<80xi32, #tpu.memory_space<vmem>>, vector<16xi32>,
      %swap3A_206 = vector.shape_cast %swap3A_205 : vector<16xi32> to vector<16xi32>
      %swap3A_207 = vector.shape_cast %get3A_203 : vector<16xi32> to vector<16xi32>
      tpu.vector_store %arg10[%swap3A_204], %swap3A_207 {strides = array<i32>} : memref<80xi32, #tpu.memory_space<vmem>>, vector<16xi32>,
      %get3A_208 = arith.constant 112 : index
      %get3A_209 = tpu.vector_load %arg8[%get3A_208] {strides = array<i32>} : memref<160xi32, #tpu.memory_space<vmem>>, vector<16xi32>,
      %get3A_210 = vector.shape_cast %get3A_209 : vector<16xi32> to vector<16xi32>
      %swap3A_211 = arith.constant 32 : index
      %swap3A_212 = tpu.vector_load %arg10[%swap3A_211] {strides = array<i32>} : memref<80xi32, #tpu.memory_space<vmem>>, vector<16xi32>,
      %swap3A_213 = vector.shape_cast %swap3A_212 : vector<16xi32> to vector<16xi32>
      %swap3A_214 = vector.shape_cast %get3A_210 : vector<16xi32> to vector<16xi32>
      tpu.vector_store %arg10[%swap3A_211], %swap3A_214 {strides = array<i32>} : memref<80xi32, #tpu.memory_space<vmem>>, vector<16xi32>,
      %get3A_215 = arith.constant 128 : index
      %get3A_216 = tpu.vector_load %arg8[%get3A_215] {strides = array<i32>} : memref<160xi32, #tpu.memory_space<vmem>>, vector<16xi32>,
      %get3A_217 = vector.shape_cast %get3A_216 : vector<16xi32> to vector<16xi32>
      %swap3A_218 = arith.constant 48 : index
      %swap3A_219 = tpu.vector_load %arg10[%swap3A_218] {strides = array<i32>} : memref<80xi32, #tpu.memory_space<vmem>>, vector<16xi32>,
      %swap3A_220 = vector.shape_cast %swap3A_219 : vector<16xi32> to vector<16xi32>
      %swap3A_221 = vector.shape_cast %get3A_217 : vector<16xi32> to vector<16xi32>
      tpu.vector_store %arg10[%swap3A_218], %swap3A_221 {strides = array<i32>} : memref<80xi32, #tpu.memory_space<vmem>>, vector<16xi32>,
      %get3A_222 = arith.constant 144 : index
      %get3A_223 = tpu.vector_load %arg8[%get3A_222] {strides = array<i32>} : memref<160xi32, #tpu.memory_space<vmem>>, vector<16xi32>,
      %get3A_224 = vector.shape_cast %get3A_223 : vector<16xi32> to vector<16xi32>
      %swap3A_225 = arith.constant 64 : index
      %swap3A_226 = tpu.vector_load %arg10[%swap3A_225] {strides = array<i32>} : memref<80xi32, #tpu.memory_space<vmem>>, vector<16xi32>,
      %swap3A_227 = vector.shape_cast %swap3A_226 : vector<16xi32> to vector<16xi32>
      %swap3A_228 = vector.shape_cast %get3A_224 : vector<16xi32> to vector<16xi32>
      tpu.vector_store %arg10[%swap3A_225], %swap3A_228 {strides = array<i32>} : memref<80xi32, #tpu.memory_space<vmem>>, vector<16xi32>,
      %dma_start3A_229 = arith.constant 0 : i32
      %dma_start3A_230 = arith.constant 0 : i32
      %dma_start3A_231 = tpu.memref_slice %arg14[%dma_start3A_229, %dma_start3A_230] : memref<10000x128xf32, #tpu.memory_space<vmem_shared>> -> memref<10000x128xf32, #tpu.memory_space<vmem_shared>>
      tpu.enqueue_indirect_dma source(%arg13 : memref<80x128xf32, #tpu.memory_space<vmem>>) target(%dma_start3A_231 : memref<10000x128xf32, #tpu.memory_space<vmem_shared>>) offsets(%arg9 : memref<80xi32, #tpu.memory_space<vmem>>) semaphore(%arg15 : memref<!tpu.dma_semaphore, #tpu.memory_space<semaphore_mem>>) {add = true}
      %dma_start3A_232 = arith.constant 0 : i32
      %dma_start3A_233 = arith.constant 0 : i32
      %dma_start3A_234 = tpu.memref_slice %arg14[%dma_start3A_232, %dma_start3A_233] : memref<10000x128xf32, #tpu.memory_space<vmem_shared>> -> memref<10000x128xf32, #tpu.memory_space<vmem_shared>>
      tpu.enqueue_indirect_dma source(%arg13 : memref<80x128xf32, #tpu.memory_space<vmem>>) target(%dma_start3A_234 : memref<10000x128xf32, #tpu.memory_space<vmem_shared>>) offsets(%arg10 : memref<80xi32, #tpu.memory_space<vmem>>) semaphore(%arg16 : memref<!tpu.dma_semaphore, #tpu.memory_space<semaphore_mem>>) {add = true}
      %add3A_235 = arith.constant 3 : i32
      %add3A_236 = arith.addi %add3A_189, %add3A_235 : i32
      %min3A = arith.minsi %add3A_236, %sub3A_68 : i32
      %mul3A_237 = arith.constant 160 : i32
      %mul3A_238 = arith.muli %min3A, %mul3A_237 : i32
      %dma_start3A_239 = tpu.memref_slice %arg3[%mul3A_238] : memref<640000xi32, #tpu.memory_space<hbm>> -> memref<160xi32, #tpu.memory_space<hbm>>
      %dma_start3A_240 = tpu.memref_slice %arg3[%mul3A_238] : memref<640000xi32, #tpu.memory_space<hbm>> -> memref<160xi32, #tpu.memory_space<hbm>>
      tpu.enqueue_dma source(%dma_start3A_240 : memref<160xi32, #tpu.memory_space<hbm>>) target(%arg8 : memref<160xi32, #tpu.memory_space<vmem>>) target_semaphore(%arg18 : memref<!tpu.dma_semaphore, #tpu.memory_space<semaphore_mem>>)
      %dma_wait3A_241 = arith.constant 0 : i32
      %dma_wait3A_242 = arith.constant 0 : i32
      %dma_wait3A_243 = tpu.memref_slice %arg14[%dma_wait3A_241, %dma_wait3A_242] : memref<10000x128xf32, #tpu.memory_space<vmem_shared>> -> memref<10000x128xf32, #tpu.memory_space<vmem_shared>>
      tpu.wait_indirect_dma semaphore(%arg15 : memref<!tpu.dma_semaphore, #tpu.memory_space<semaphore_mem>>) src(%arg13 : memref<80x128xf32, #tpu.memory_space<vmem>>) dst(%dma_wait3A_243 : memref<10000x128xf32, #tpu.memory_space<vmem_shared>>)
      %dma_wait3A_244 = arith.constant 0 : i32
      %dma_wait3A_245 = tpu.memref_slice %arg3[%dma_wait3A_244] : memref<640000xi32, #tpu.memory_space<hbm>> -> memref<160xi32, #tpu.memory_space<hbm>>
      %dma_wait3A_246 = arith.constant 0 : i32
      %dma_wait3A_247 = tpu.memref_slice %arg3[%dma_wait3A_246] : memref<640000xi32, #tpu.memory_space<hbm>> -> memref<160xi32, #tpu.memory_space<hbm>>
      tpu.wait_dma2 semaphore(%arg17 : memref<!tpu.dma_semaphore, #tpu.memory_space<semaphore_mem>>) src(%dma_wait3A_247 : memref<160xi32, #tpu.memory_space<hbm>>) dst(%arg7 : memref<160xi32, #tpu.memory_space<vmem>>)
      %get3A_248 = arith.constant 80 : index
      %get3A_249 = tpu.vector_load %arg7[%get3A_248] {strides = array<i32>} : memref<160xi32, #tpu.memory_space<vmem>>, vector<16xi32>,
      %get3A_250 = vector.shape_cast %get3A_249 : vector<16xi32> to vector<16xi32>
      %swap3A_251 = arith.constant 0 : index
      %swap3A_252 = tpu.vector_load %arg9[%swap3A_251] {strides = array<i32>} : memref<80xi32, #tpu.memory_space<vmem>>, vector<16xi32>,
      %swap3A_253 = vector.shape_cast %swap3A_252 : vector<16xi32> to vector<16xi32>
      %swap3A_254 = vector.shape_cast %get3A_250 : vector<16xi32> to vector<16xi32>
      tpu.vector_store %arg9[%swap3A_251], %swap3A_254 {strides = array<i32>} : memref<80xi32, #tpu.memory_space<vmem>>, vector<16xi32>,
      %get3A_255 = arith.constant 96 : index
      %get3A_256 = tpu.vector_load %arg7[%get3A_255] {strides = array<i32>} : memref<160xi32, #tpu.memory_space<vmem>>, vector<16xi32>,
      %get3A_257 = vector.shape_cast %get3A_256 : vector<16xi32> to vector<16xi32>
      %swap3A_258 = arith.constant 16 : index
      %swap3A_259 = tpu.vector_load %arg9[%swap3A_258] {strides = array<i32>} : memref<80xi32, #tpu.memory_space<vmem>>, vector<16xi32>,
      %swap3A_260 = vector.shape_cast %swap3A_259 : vector<16xi32> to vector<16xi32>
      %swap3A_261 = vector.shape_cast %get3A_257 : vector<16xi32> to vector<16xi32>
      tpu.vector_store %arg9[%swap3A_258], %swap3A_261 {strides = array<i32>} : memref<80xi32, #tpu.memory_space<vmem>>, vector<16xi32>,
      %get3A_262 = arith.constant 112 : index
      %get3A_263 = tpu.vector_load %arg7[%get3A_262] {strides = array<i32>} : memref<160xi32, #tpu.memory_space<vmem>>, vector<16xi32>,
      %get3A_264 = vector.shape_cast %get3A_263 : vector<16xi32> to vector<16xi32>
      %swap3A_265 = arith.constant 32 : index
      %swap3A_266 = tpu.vector_load %arg9[%swap3A_265] {strides = array<i32>} : memref<80xi32, #tpu.memory_space<vmem>>, vector<16xi32>,
      %swap3A_267 = vector.shape_cast %swap3A_266 : vector<16xi32> to vector<16xi32>
      %swap3A_268 = vector.shape_cast %get3A_264 : vector<16xi32> to vector<16xi32>
      tpu.vector_store %arg9[%swap3A_265], %swap3A_268 {strides = array<i32>} : memref<80xi32, #tpu.memory_space<vmem>>, vector<16xi32>,
      %get3A_269 = arith.constant 128 : index
      %get3A_270 = tpu.vector_load %arg7[%get3A_269] {strides = array<i32>} : memref<160xi32, #tpu.memory_space<vmem>>, vector<16xi32>,
      %get3A_271 = vector.shape_cast %get3A_270 : vector<16xi32> to vector<16xi32>
      %swap3A_272 = arith.constant 48 : index
      %swap3A_273 = tpu.vector_load %arg9[%swap3A_272] {strides = array<i32>} : memref<80xi32, #tpu.memory_space<vmem>>, vector<16xi32>,
      %swap3A_274 = vector.shape_cast %swap3A_273 : vector<16xi32> to vector<16xi32>
      %swap3A_275 = vector.shape_cast %get3A_271 : vector<16xi32> to vector<16xi32>
      tpu.vector_store %arg9[%swap3A_272], %swap3A_275 {strides = array<i32>} : memref<80xi32, #tpu.memory_space<vmem>>, vector<16xi32>,
      %get3A_276 = arith.constant 144 : index
      %get3A_277 = tpu.vector_load %arg7[%get3A_276] {strides = array<i32>} : memref<160xi32, #tpu.memory_space<vmem>>, vector<16xi32>,
      %get3A_278 = vector.shape_cast %get3A_277 : vector<16xi32> to vector<16xi32>
      %swap3A_279 = arith.constant 64 : index
      %swap3A_280 = tpu.vector_load %arg9[%swap3A_279] {strides = array<i32>} : memref<80xi32, #tpu.memory_space<vmem>>, vector<16xi32>,
      %swap3A_281 = vector.shape_cast %swap3A_280 : vector<16xi32> to vector<16xi32>
      %swap3A_282 = vector.shape_cast %get3A_278 : vector<16xi32> to vector<16xi32>
      tpu.vector_store %arg9[%swap3A_279], %swap3A_282 {strides = array<i32>} : memref<80xi32, #tpu.memory_space<vmem>>, vector<16xi32>,
      %add3A_283 = arith.constant 4 : i32
      %add3A_284 = arith.addi %add3A_189, %add3A_283 : i32
      %min3A_285 = arith.minsi %add3A_284, %sub3A_68 : i32
      %mul3A_286 = arith.constant 160 : i32
      %mul3A_287 = arith.muli %min3A_285, %mul3A_286 : i32
      %dma_start3A_288 = tpu.memref_slice %arg3[%mul3A_287] : memref<640000xi32, #tpu.memory_space<hbm>> -> memref<160xi32, #tpu.memory_space<hbm>>
      %dma_start3A_289 = tpu.memref_slice %arg3[%mul3A_287] : memref<640000xi32, #tpu.memory_space<hbm>> -> memref<160xi32, #tpu.memory_space<hbm>>
      tpu.enqueue_dma source(%dma_start3A_289 : memref<160xi32, #tpu.memory_space<hbm>>) target(%arg7 : memref<160xi32, #tpu.memory_space<vmem>>) target_semaphore(%arg17 : memref<!tpu.dma_semaphore, #tpu.memory_space<semaphore_mem>>)
      %dma_wait3A_290 = arith.constant 0 : i32
      %dma_wait3A_291 = arith.constant 0 : i32
      %dma_wait3A_292 = tpu.memref_slice %arg14[%dma_wait3A_290, %dma_wait3A_291] : memref<10000x128xf32, #tpu.memory_space<vmem_shared>> -> memref<10000x128xf32, #tpu.memory_space<vmem_shared>>
      tpu.wait_indirect_dma semaphore(%arg16 : memref<!tpu.dma_semaphore, #tpu.memory_space<semaphore_mem>>) src(%arg13 : memref<80x128xf32, #tpu.memory_space<vmem>>) dst(%dma_wait3A_292 : memref<10000x128xf32, #tpu.memory_space<vmem_shared>>)
    }
    %scan3A_166 = arith.constant 62 : i32
    "tpu.region"() ({
      %run_scoped3A = tpu.sem_alloc : memref<!tpu.dma_semaphore, #tpu.memory_space<semaphore_mem>>
      %dma_start3A_186 = arith.constant 0 : i32
      %dma_start3A_187 = arith.constant 0 : i32
      %dma_start3A_188 = tpu.memref_slice %arg14[%dma_start3A_186, %dma_start3A_187] : memref<10000x128xf32, #tpu.memory_space<vmem_shared>> -> memref<10000x128xf32, #tpu.memory_space<vmem_shared>>
      tpu.enqueue_indirect_dma source(%arg13 : memref<80x128xf32, #tpu.memory_space<vmem>>) target(%dma_start3A_188 : memref<10000x128xf32, #tpu.memory_space<vmem_shared>>) offsets(%arg9 : memref<80xi32, #tpu.memory_space<vmem>>) semaphore(%run_scoped3A : memref<!tpu.dma_semaphore, #tpu.memory_space<semaphore_mem>>) {add = true}
      %dma_wait3A_189 = arith.constant 0 : i32
      %dma_wait3A_190 = arith.constant 0 : i32
      %dma_wait3A_191 = tpu.memref_slice %arg14[%dma_wait3A_189, %dma_wait3A_190] : memref<10000x128xf32, #tpu.memory_space<vmem_shared>> -> memref<10000x128xf32, #tpu.memory_space<vmem_shared>>
      tpu.wait_indirect_dma semaphore(%run_scoped3A : memref<!tpu.dma_semaphore, #tpu.memory_space<semaphore_mem>>) src(%arg13 : memref<80x128xf32, #tpu.memory_space<vmem>>) dst(%dma_wait3A_191 : memref<10000x128xf32, #tpu.memory_space<vmem_shared>>)
      tpu.yield
    }) : () -> ()
    %dma_wait3A_167 = arith.constant 0 : i32
    %dma_wait3A_168 = tpu.memref_slice %arg3[%dma_wait3A_167] : memref<640000xi32, #tpu.memory_space<hbm>> -> memref<160xi32, #tpu.memory_space<hbm>>
    %dma_wait3A_169 = arith.constant 0 : i32
    %dma_wait3A_170 = tpu.memref_slice %arg3[%dma_wait3A_169] : memref<640000xi32, #tpu.memory_space<hbm>> -> memref<160xi32, #tpu.memory_space<hbm>>
    tpu.wait_dma2 semaphore(%arg17 : memref<!tpu.dma_semaphore, #tpu.memory_space<semaphore_mem>>) src(%dma_wait3A_170 : memref<160xi32, #tpu.memory_space<hbm>>) dst(%arg7 : memref<160xi32, #tpu.memory_space<vmem>>)
    %dma_wait3A_171 = arith.constant 0 : i32
    %dma_wait3A_172 = tpu.memref_slice %arg3[%dma_wait3A_171] : memref<640000xi32, #tpu.memory_space<hbm>> -> memref<160xi32, #tpu.memory_space<hbm>>
    %dma_wait3A_173 = arith.constant 0 : i32
    %dma_wait3A_174 = tpu.memref_slice %arg3[%dma_wait3A_173] : memref<640000xi32, #tpu.memory_space<hbm>> -> memref<160xi32, #tpu.memory_space<hbm>>
    tpu.wait_dma2 semaphore(%arg18 : memref<!tpu.dma_semaphore, #tpu.memory_space<semaphore_mem>>) src(%dma_wait3A_174 : memref<160xi32, #tpu.memory_space<hbm>>) dst(%arg8 : memref<160xi32, #tpu.memory_space<vmem>>)
    %barrier3A_175 = arith.constant 0 : index
    tpu.barrier barrier_id(%barrier3A_175)
    %lt3A_176 = arith.constant 15 : i32
    %lt3A_177 = arith.cmpi slt, %arg1, %lt3A_176 : i32
    %convert_element_type3A_178 = arith.extui %lt3A_177 : i1 to i32
    %cond3A_179 = arith.constant 0 : i32
    %cond3A_180 = arith.cmpi ne, %convert_element_type3A_178, %cond3A_179 : i32
    scf.if %cond3A_180 {
      "tpu.region"() ({
        %run_scoped3A = tpu.sem_alloc : memref<!tpu.dma_semaphore, #tpu.memory_space<semaphore_mem>>
        %dma_start3A_186 = arith.constant 0 : i32
        %dma_start3A_187 = tpu.memref_slice %arg6[%arg0, %mul3A_0, %dma_start3A_186] : memref<2x10000x128xf32, #tpu.memory_space<hbm>> -> memref<1x624x128xf32, #tpu.memory_space<hbm>>
        %dma_start3A_188 = tpu.memref_squeeze %dma_start3A_187 : memref<1x624x128xf32, #tpu.memory_space<hbm>> -> memref<624x128xf32, #tpu.memory_space<hbm>>
        %dma_start3A_189 = arith.constant 0 : i32
        %dma_start3A_190 = tpu.memref_slice %arg14[%mul3A_0, %dma_start3A_189] : memref<10000x128xf32, #tpu.memory_space<vmem_shared>> -> memref<624x128xf32, #tpu.memory_space<vmem_shared>>
        tpu.enqueue_dma source(%dma_start3A_190 : memref<624x128xf32, #tpu.memory_space<vmem_shared>>) target(%dma_start3A_188 : memref<624x128xf32, #tpu.memory_space<hbm>>) target_semaphore(%run_scoped3A : memref<!tpu.dma_semaphore, #tpu.memory_space<semaphore_mem>>)
        %dma_wait3A_191 = arith.constant 0 : i32
        %dma_wait3A_192 = tpu.memref_slice %arg6[%arg0, %mul3A_0, %dma_wait3A_191] : memref<2x10000x128xf32, #tpu.memory_space<hbm>> -> memref<1x624x128xf32, #tpu.memory_space<hbm>>
        %dma_wait3A_193 = tpu.memref_squeeze %dma_wait3A_192 : memref<1x624x128xf32, #tpu.memory_space<hbm>> -> memref<624x128xf32, #tpu.memory_space<hbm>>
        %dma_wait3A_194 = arith.constant 0 : i32
        %dma_wait3A_195 = tpu.memref_slice %arg14[%mul3A_0, %dma_wait3A_194] : memref<10000x128xf32, #tpu.memory_space<vmem_shared>> -> memref<624x128xf32, #tpu.memory_space<vmem_shared>>
        tpu.wait_dma2 semaphore(%run_scoped3A : memref<!tpu.dma_semaphore, #tpu.memory_space<semaphore_mem>>) src(%dma_wait3A_195 : memref<624x128xf32, #tpu.memory_space<vmem_shared>>) dst(%dma_wait3A_193 : memref<624x128xf32, #tpu.memory_space<hbm>>)
        tpu.yield
      }) : () -> ()
    } else {
    }
    %eq3A_181 = arith.constant 15 : i32
    %eq3A_182 = arith.cmpi eq, %arg1, %eq3A_181 : i32
    %convert_element_type3A_183 = arith.extui %eq3A_182 : i1 to i32
    %cond3A_184 = arith.constant 0 : i32
    %cond3A_185 = arith.cmpi ne, %convert_element_type3A_183, %cond3A_184 : i32
    scf.if %cond3A_185 {
      "tpu.region"() ({
        %run_scoped3A = tpu.sem_alloc : memref<!tpu.dma_semaphore, #tpu.memory_space<semaphore_mem>>
        %dma_start3A_186 = arith.constant 0 : i32
        %dma_start3A_187 = tpu.memref_slice %arg6[%arg0, %mul3A_0, %dma_start3A_186] : memref<2x10000x128xf32, #tpu.memory_space<hbm>> -> memref<1x640x128xf32, #tpu.memory_space<hbm>>
        %dma_start3A_188 = tpu.memref_squeeze %dma_start3A_187 : memref<1x640x128xf32, #tpu.memory_space<hbm>> -> memref<640x128xf32, #tpu.memory_space<hbm>>
        %dma_start3A_189 = arith.constant 0 : i32
        %dma_start3A_190 = tpu.memref_slice %arg14[%mul3A_0, %dma_start3A_189] : memref<10000x128xf32, #tpu.memory_space<vmem_shared>> -> memref<640x128xf32, #tpu.memory_space<vmem_shared>>
        tpu.enqueue_dma source(%dma_start3A_190 : memref<640x128xf32, #tpu.memory_space<vmem_shared>>) target(%dma_start3A_188 : memref<640x128xf32, #tpu.memory_space<hbm>>) target_semaphore(%run_scoped3A : memref<!tpu.dma_semaphore, #tpu.memory_space<semaphore_mem>>)
        %dma_wait3A_191 = arith.constant 0 : i32
        %dma_wait3A_192 = tpu.memref_slice %arg6[%arg0, %mul3A_0, %dma_wait3A_191] : memref<2x10000x128xf32, #tpu.memory_space<hbm>> -> memref<1x640x128xf32, #tpu.memory_space<hbm>>
        %dma_wait3A_193 = tpu.memref_squeeze %dma_wait3A_192 : memref<1x640x128xf32, #tpu.memory_space<hbm>> -> memref<640x128xf32, #tpu.memory_space<hbm>>
        %dma_wait3A_194 = arith.constant 0 : i32
        %dma_wait3A_195 = tpu.memref_slice %arg14[%mul3A_0, %dma_wait3A_194] : memref<10000x128xf32, #tpu.memory_space<vmem_shared>> -> memref<640x128xf32, #tpu.memory_space<vmem_shared>>
        tpu.wait_dma2 semaphore(%run_scoped3A : memref<!tpu.dma_semaphore, #tpu.memory_space<semaphore_mem>>) src(%dma_wait3A_195 : memref<640x128xf32, #tpu.memory_space<vmem_shared>>) dst(%dma_wait3A_193 : memref<640x128xf32, #tpu.memory_space<hbm>>)
        tpu.yield
      }) : () -> ()
    } else {
    }
    return
  }
}

module attributes {stable_mosaic.version = 14 : i64} {
  func.func @body(%arg0: i32, %arg1: memref<2x1000x128xf32, #tpu.memory_space<vmem>>, %arg2: memref<2x1000x128xf32, #tpu.memory_space<vmem>>, %arg3: memref<128x128xf32, #tpu.memory_space<vmem>>, %arg4: memref<1000x128xf32, #tpu.memory_space<vmem>>, %arg5: memref<8x128xf32, #tpu.memory_space<vmem>>, %arg6: memref<8x128xf32, #tpu.memory_space<vmem>>) attributes {dimension_semantics = [#tpu.dimension_semantics<arbitrary>], iteration_bounds = array<i64: 10>, scalar_prefetch = 0 : i64, scratch_operands = 0 : i64, tpu.core_type = #tpu.core_type<tc>, window_params = [{transform_indices = @transform_0, window_bounds = array<i64: 2, 1000, 128>}, {transform_indices = @transform_1, window_bounds = array<i64: 2, 1000, 128>}, {pipeline_mode = #tpu.pipeline_mode<synchronous>, transform_indices = @transform_2, window_bounds = array<i64: 128, 128>}, {transform_indices = @transform_3, window_bounds = array<i64: 1000, 128>}, {pipeline_mode = #tpu.pipeline_mode<synchronous>, transform_indices = @transform_4, window_bounds = array<i64: 8, 128>}, {pipeline_mode = #tpu.pipeline_mode<synchronous>, transform_indices = @transform_5, window_bounds = array<i64: 8, 128>}]} {
    %get3A = arith.constant 0 : index
    %get3A_0 = arith.constant 0 : index
    %get3A_1 = arith.constant 0 : index
    %get3A_2 = vector.load %arg1[%get3A, %get3A_0, %get3A_1] : memref<2x1000x128xf32, #tpu.memory_space<vmem>>, vector<1x1000x128xf32>
    %get3A_3 = vector.shape_cast %get3A_2 : vector<1x1000x128xf32> to vector<1000x128xf32>
    %get3A_4 = arith.constant 1 : index
    %get3A_5 = arith.constant 0 : index
    %get3A_6 = arith.constant 0 : index
    %get3A_7 = vector.load %arg1[%get3A_4, %get3A_5, %get3A_6] : memref<2x1000x128xf32, #tpu.memory_space<vmem>>, vector<1x1000x128xf32>
    %get3A_8 = vector.shape_cast %get3A_7 : vector<1x1000x128xf32> to vector<1000x128xf32>
    %add3A = arith.addf %get3A_3, %get3A_8 : vector<1000x128xf32>
    %get3A_9 = arith.constant 0 : index
    %get3A_10 = arith.constant 0 : index
    %get3A_11 = arith.constant 0 : index
    %get3A_12 = vector.load %arg2[%get3A_9, %get3A_10, %get3A_11] : memref<2x1000x128xf32, #tpu.memory_space<vmem>>, vector<1x1000x1xf32>
    %get3A_13 = vector.shape_cast %get3A_12 : vector<1x1000x1xf32> to vector<1000x1xf32>
    %get3A_14 = arith.constant 1 : index
    %get3A_15 = arith.constant 0 : index
    %get3A_16 = arith.constant 0 : index
    %get3A_17 = vector.load %arg2[%get3A_14, %get3A_15, %get3A_16] : memref<2x1000x128xf32, #tpu.memory_space<vmem>>, vector<1x1000x1xf32>
    %get3A_18 = vector.shape_cast %get3A_17 : vector<1x1000x1xf32> to vector<1000x1xf32>
    %add3A_19 = arith.addf %get3A_13, %get3A_18 : vector<1000x1xf32>
    %max3A = arith.constant 1.000000e+00 : f32
    %max3A_20 = vector.broadcast %max3A : f32 to vector<1000x1xf32>
    %max3A_21 = arith.maximumf %add3A_19, %max3A_20 : vector<1000x1xf32>
    %div3A = vector.broadcast %max3A_21 : vector<1000x1xf32> to vector<1000x128xf32>
    %div3A_22 = arith.divf %add3A, %div3A : vector<1000x128xf32>
    %get3A_23 = arith.constant 0 : index
    %get3A_24 = arith.constant 0 : index
    %get3A_25 = vector.load %arg3[%get3A_23, %get3A_24] : memref<128x128xf32, #tpu.memory_space<vmem>>, vector<128x128xf32>
    %dot_general3A = arith.constant dense<0.000000e+00> : vector<1000x128xf32>
    %dot_general3A_26 = tpu.matmul %div3A_22, %get3A_25, %dot_general3A {dimension_numbers = #tpu.dot_dimension_numbers<[1], [0], [0], [1], [0, 0, 1, 1], [], []>, transpose_lhs_hint = false} : vector<1000x128xf32>, vector<128x128xf32>, vector<1000x128xf32> -> vector<1000x128xf32>
    %swap3A = arith.constant 0 : index
    %swap3A_27 = arith.constant 0 : index
    %swap3A_28 = vector.load %arg4[%swap3A, %swap3A_27] : memref<1000x128xf32, #tpu.memory_space<vmem>>, vector<1000x128xf32>
    tpu.vector_store %arg4[%swap3A, %swap3A_27], %dot_general3A_26 {strides = array<i32>} : memref<1000x128xf32, #tpu.memory_space<vmem>>, vector<1000x128xf32>,
    %reshape3A = vector.shape_cast %dot_general3A_26 : vector<1000x128xf32> to vector<125x8x128xf32>
    %reduce_sum3A = arith.constant dense<0.000000e+00> : vector<8x128xf32>
    %reduce_sum3A_29 = vector.multi_reduction <add>, %reshape3A, %reduce_sum3A [0] : vector<125x8x128xf32> to vector<8x128xf32>
    %mul3A = arith.mulf %dot_general3A_26, %dot_general3A_26 : vector<1000x128xf32>
    %reshape3A_30 = vector.shape_cast %mul3A : vector<1000x128xf32> to vector<125x8x128xf32>
    %reduce_sum3A_31 = arith.constant dense<0.000000e+00> : vector<8x128xf32>
    %reduce_sum3A_32 = vector.multi_reduction <add>, %reshape3A_30, %reduce_sum3A_31 [0] : vector<125x8x128xf32> to vector<8x128xf32>
    %eq3A = arith.constant 0 : i32
    %eq3A_33 = arith.cmpi eq, %arg0, %eq3A : i32
    %convert_element_type3A = arith.extui %eq3A_33 : i1 to i32
    %cond3A = arith.constant 0 : i32
    %cond3A_34 = arith.cmpi ne, %convert_element_type3A, %cond3A : i32
    scf.if %cond3A_34 {
      %swap3A_39 = arith.constant 0 : index
      %swap3A_40 = arith.constant 0 : index
      %swap3A_41 = vector.load %arg5[%swap3A_39, %swap3A_40] : memref<8x128xf32, #tpu.memory_space<vmem>>, vector<8x128xf32>
      tpu.vector_store %arg5[%swap3A_39, %swap3A_40], %reduce_sum3A_29 {strides = array<i32>} : memref<8x128xf32, #tpu.memory_space<vmem>>, vector<8x128xf32>,
      %swap3A_42 = arith.constant 0 : index
      %swap3A_43 = arith.constant 0 : index
      %swap3A_44 = vector.load %arg6[%swap3A_42, %swap3A_43] : memref<8x128xf32, #tpu.memory_space<vmem>>, vector<8x128xf32>
      tpu.vector_store %arg6[%swap3A_42, %swap3A_43], %reduce_sum3A_32 {strides = array<i32>} : memref<8x128xf32, #tpu.memory_space<vmem>>, vector<8x128xf32>,
    } else {
    }
    %ne3A = arith.constant 0 : i32
    %ne3A_35 = arith.cmpi ne, %arg0, %ne3A : i32
    %convert_element_type3A_36 = arith.extui %ne3A_35 : i1 to i32
    %cond3A_37 = arith.constant 0 : i32
    %cond3A_38 = arith.cmpi ne, %convert_element_type3A_36, %cond3A_37 : i32
    scf.if %cond3A_38 {
      %get3A_39 = arith.constant 0 : index
      %get3A_40 = arith.constant 0 : index
      %get3A_41 = vector.load %arg5[%get3A_39, %get3A_40] : memref<8x128xf32, #tpu.memory_space<vmem>>, vector<8x128xf32>
      %add3A_42 = arith.addf %get3A_41, %reduce_sum3A_29 : vector<8x128xf32>
      %swap3A_43 = arith.constant 0 : index
      %swap3A_44 = arith.constant 0 : index
      %swap3A_45 = vector.load %arg5[%swap3A_43, %swap3A_44] : memref<8x128xf32, #tpu.memory_space<vmem>>, vector<8x128xf32>
      tpu.vector_store %arg5[%swap3A_43, %swap3A_44], %add3A_42 {strides = array<i32>} : memref<8x128xf32, #tpu.memory_space<vmem>>, vector<8x128xf32>,
      %get3A_46 = arith.constant 0 : index
      %get3A_47 = arith.constant 0 : index
      %get3A_48 = vector.load %arg6[%get3A_46, %get3A_47] : memref<8x128xf32, #tpu.memory_space<vmem>>, vector<8x128xf32>
      %add3A_49 = arith.addf %get3A_48, %reduce_sum3A_32 : vector<8x128xf32>
      %swap3A_50 = arith.constant 0 : index
      %swap3A_51 = arith.constant 0 : index
      %swap3A_52 = vector.load %arg6[%swap3A_50, %swap3A_51] : memref<8x128xf32, #tpu.memory_space<vmem>>, vector<8x128xf32>
      tpu.vector_store %arg6[%swap3A_50, %swap3A_51], %add3A_49 {strides = array<i32>} : memref<8x128xf32, #tpu.memory_space<vmem>>, vector<8x128xf32>,
    } else {
    }
    return
  }
  func.func @transform_0(%arg0: i32) -> (i32, i32, i32) {
    %c0_i32 = arith.constant 0 : i32
    %c0_i32_0 = arith.constant 0 : i32
    %c0_i32_1 = arith.constant 0 : i32
    return %c0_i32, %arg0, %c0_i32_0 : i32, i32, i32
  }
  func.func @transform_1(%arg0: i32) -> (i32, i32, i32) {
    %c0_i32 = arith.constant 0 : i32
    %c0_i32_0 = arith.constant 0 : i32
    %c0_i32_1 = arith.constant 0 : i32
    return %c0_i32, %arg0, %c0_i32_0 : i32, i32, i32
  }
  func.func @transform_2(%arg0: i32) -> (i32, i32) {
    %c0_i32 = arith.constant 0 : i32
    %c0_i32_0 = arith.constant 0 : i32
    %c0_i32_1 = arith.constant 0 : i32
    return %c0_i32, %c0_i32_0 : i32, i32
  }
  func.func @transform_3(%arg0: i32) -> (i32, i32) {
    %c0_i32 = arith.constant 0 : i32
    %c0_i32_0 = arith.constant 0 : i32
    return %arg0, %c0_i32 : i32, i32
  }
  func.func @transform_4(%arg0: i32) -> (i32, i32) {
    %c0_i32 = arith.constant 0 : i32
    %c0_i32_0 = arith.constant 0 : i32
    %c0_i32_1 = arith.constant 0 : i32
    return %c0_i32, %c0_i32_0 : i32, i32
  }
  func.func @transform_5(%arg0: i32) -> (i32, i32) {
    %c0_i32 = arith.constant 0 : i32
    %c0_i32_0 = arith.constant 0 : i32
    %c0_i32_1 = arith.constant 0 : i32
    return %c0_i32, %c0_i32_0 : i32, i32
  }
}

module attributes {stable_mosaic.version = 14 : i64} {
  func.func @body(%arg0: i32, %arg1: memref<1000x128xf32, #tpu.memory_space<vmem>>, %arg2: memref<1000x128xf32, #tpu.memory_space<vmem>>, %arg3: memref<8x128xf32, #tpu.memory_space<vmem>>, %arg4: memref<8x128xf32, #tpu.memory_space<vmem>>, %arg5: memref<1x128xf32, #tpu.memory_space<vmem>>, %arg6: memref<1x128xf32, #tpu.memory_space<vmem>>, %arg7: memref<128x128xf32, #tpu.memory_space<vmem>>, %arg8: memref<128x128xf32, #tpu.memory_space<vmem>>, %arg9: memref<1x128xf32, #tpu.memory_space<vmem>>, %arg10: memref<128x128xf32, #tpu.memory_space<vmem>>, %arg11: memref<128x128xf32, #tpu.memory_space<vmem>>, %arg12: memref<1x128xf32, #tpu.memory_space<vmem>>, %arg13: memref<128x128xf32, #tpu.memory_space<vmem>>, %arg14: memref<128x128xf32, #tpu.memory_space<vmem>>, %arg15: memref<1x128xf32, #tpu.memory_space<vmem>>, %arg16: memref<1000x128xf32, #tpu.memory_space<vmem>>) attributes {dimension_semantics = [#tpu.dimension_semantics<arbitrary>], iteration_bounds = array<i64: 10>, scalar_prefetch = 0 : i64, scratch_operands = 0 : i64, tpu.core_type = #tpu.core_type<tc>, window_params = [{transform_indices = @transform_0, window_bounds = array<i64: 1000, 128>}, {transform_indices = @transform_1, window_bounds = array<i64: 1000, 128>}, {pipeline_mode = #tpu.pipeline_mode<synchronous>, transform_indices = @transform_2, window_bounds = array<i64: 8, 128>}, {pipeline_mode = #tpu.pipeline_mode<synchronous>, transform_indices = @transform_3, window_bounds = array<i64: 8, 128>}, {pipeline_mode = #tpu.pipeline_mode<synchronous>, transform_indices = @transform_4, window_bounds = array<i64: 1, 128>}, {pipeline_mode = #tpu.pipeline_mode<synchronous>, transform_indices = @transform_5, window_bounds = array<i64: 1, 128>}, {pipeline_mode = #tpu.pipeline_mode<synchronous>, transform_indices = @transform_6, window_bounds = array<i64: 128, 128>}, {pipeline_mode = #tpu.pipeline_mode<synchronous>, transform_indices = @transform_7, window_bounds = array<i64: 128, 128>}, {pipeline_mode = #tpu.pipeline_mode<synchronous>, transform_indices = @transform_8, window_bounds = array<i64: 1, 128>}, {pipeline_mode = #tpu.pipeline_mode<synchronous>, transform_indices = @transform_9, window_bounds = array<i64: 128, 128>}, {pipeline_mode = #tpu.pipeline_mode<synchronous>, transform_indices = @transform_10, window_bounds = array<i64: 128, 128>}, {pipeline_mode = #tpu.pipeline_mode<synchronous>, transform_indices = @transform_11, window_bounds = array<i64: 1, 128>}, {pipeline_mode = #tpu.pipeline_mode<synchronous>, transform_indices = @transform_12, window_bounds = array<i64: 128, 128>}, {pipeline_mode = #tpu.pipeline_mode<synchronous>, transform_indices = @transform_13, window_bounds = array<i64: 128, 128>}, {pipeline_mode = #tpu.pipeline_mode<synchronous>, transform_indices = @transform_14, window_bounds = array<i64: 1, 128>}, {transform_indices = @transform_15, window_bounds = array<i64: 1000, 128>}]} {
    %get3A = arith.constant 0 : index
    %get3A_0 = arith.constant 0 : index
    %get3A_1 = vector.load %arg3[%get3A, %get3A_0] : memref<8x128xf32, #tpu.memory_space<vmem>>, vector<8x128xf32>
    %reduce_sum3A = arith.constant dense<0.000000e+00> : vector<128xf32>
    %reduce_sum3A_2 = vector.multi_reduction <add>, %get3A_1, %reduce_sum3A [0] : vector<8x128xf32> to vector<128xf32>
    %broadcast_in_dim3A = vector.shape_cast %reduce_sum3A_2 : vector<128xf32> to vector<1x128xf32>
    %mul3A = arith.constant 9.99999974E-5 : f32
    %mul3A_3 = vector.broadcast %mul3A : f32 to vector<1x128xf32>
    %mul3A_4 = arith.mulf %broadcast_in_dim3A, %mul3A_3 : vector<1x128xf32>
    %get3A_5 = arith.constant 0 : index
    %get3A_6 = arith.constant 0 : index
    %get3A_7 = vector.load %arg4[%get3A_5, %get3A_6] : memref<8x128xf32, #tpu.memory_space<vmem>>, vector<8x128xf32>
    %reduce_sum3A_8 = arith.constant dense<0.000000e+00> : vector<128xf32>
    %reduce_sum3A_9 = vector.multi_reduction <add>, %get3A_7, %reduce_sum3A_8 [0] : vector<8x128xf32> to vector<128xf32>
    %broadcast_in_dim3A_10 = vector.shape_cast %reduce_sum3A_9 : vector<128xf32> to vector<1x128xf32>
    %mul3A_11 = arith.constant 9.99999974E-5 : f32
    %mul3A_12 = vector.broadcast %mul3A_11 : f32 to vector<1x128xf32>
    %mul3A_13 = arith.mulf %broadcast_in_dim3A_10, %mul3A_12 : vector<1x128xf32>
    %mul3A_14 = arith.mulf %mul3A_4, %mul3A_4 : vector<1x128xf32>
    %sub3A = arith.subf %mul3A_13, %mul3A_14 : vector<1x128xf32>
    %add3A = arith.constant 9.99999974E-6 : f32
    %add3A_15 = vector.broadcast %add3A : f32 to vector<1x128xf32>
    %add3A_16 = arith.addf %sub3A, %add3A_15 : vector<1x128xf32>
    %rsqrt3A = math.rsqrt %add3A_16 : vector<1x128xf32>
    %get3A_17 = arith.constant 0 : index
    %get3A_18 = arith.constant 0 : index
    %get3A_19 = vector.load %arg1[%get3A_17, %get3A_18] : memref<1000x128xf32, #tpu.memory_space<vmem>>, vector<1000x128xf32>
    %sub3A_20 = vector.broadcast %mul3A_4 : vector<1x128xf32> to vector<1000x128xf32>
    %sub3A_21 = arith.subf %get3A_19, %sub3A_20 : vector<1000x128xf32>
    %get3A_22 = arith.constant 0 : index
    %get3A_23 = arith.constant 0 : index
    %get3A_24 = vector.load %arg5[%get3A_22, %get3A_23] : memref<1x128xf32, #tpu.memory_space<vmem>>, vector<1x128xf32>
    %mul3A_25 = arith.mulf %rsqrt3A, %get3A_24 : vector<1x128xf32>
    %mul3A_26 = vector.broadcast %mul3A_25 : vector<1x128xf32> to vector<1000x128xf32>
    %mul3A_27 = arith.mulf %sub3A_21, %mul3A_26 : vector<1000x128xf32>
    %get3A_28 = arith.constant 0 : index
    %get3A_29 = arith.constant 0 : index
    %get3A_30 = vector.load %arg6[%get3A_28, %get3A_29] : memref<1x128xf32, #tpu.memory_space<vmem>>, vector<1x128xf32>
    %add3A_31 = vector.broadcast %get3A_30 : vector<1x128xf32> to vector<1000x128xf32>
    %add3A_32 = arith.addf %mul3A_27, %add3A_31 : vector<1000x128xf32>
    %max3A = arith.constant 0.000000e+00 : f32
    %max3A_33 = vector.broadcast %max3A : f32 to vector<1000x128xf32>
    %max3A_34 = arith.maximumf %add3A_32, %max3A_33 : vector<1000x128xf32>
    %get3A_35 = arith.constant 0 : index
    %get3A_36 = arith.constant 0 : index
    %get3A_37 = vector.load %arg2[%get3A_35, %get3A_36] : memref<1000x128xf32, #tpu.memory_space<vmem>>, vector<1000x128xf32>
    %get3A_38 = arith.constant 0 : index
    %get3A_39 = arith.constant 0 : index
    %get3A_40 = vector.load %arg7[%get3A_38, %get3A_39] : memref<128x128xf32, #tpu.memory_space<vmem>>, vector<128x128xf32>
    %dot_general3A = arith.constant dense<0.000000e+00> : vector<1000x128xf32>
    %dot_general3A_41 = tpu.matmul %max3A_34, %get3A_40, %dot_general3A {dimension_numbers = #tpu.dot_dimension_numbers<[1], [0], [0], [1], [0, 0, 1, 1], [], []>, transpose_lhs_hint = false} : vector<1000x128xf32>, vector<128x128xf32>, vector<1000x128xf32> -> vector<1000x128xf32>
    %get3A_42 = arith.constant 0 : index
    %get3A_43 = arith.constant 0 : index
    %get3A_44 = vector.load %arg8[%get3A_42, %get3A_43] : memref<128x128xf32, #tpu.memory_space<vmem>>, vector<128x128xf32>
    %dot_general3A_45 = arith.constant dense<0.000000e+00> : vector<1000x128xf32>
    %dot_general3A_46 = tpu.matmul %get3A_37, %get3A_44, %dot_general3A_45 {dimension_numbers = #tpu.dot_dimension_numbers<[1], [0], [0], [1], [0, 0, 1, 1], [], []>, transpose_lhs_hint = false} : vector<1000x128xf32>, vector<128x128xf32>, vector<1000x128xf32> -> vector<1000x128xf32>
    %add3A_47 = arith.addf %dot_general3A_41, %dot_general3A_46 : vector<1000x128xf32>
    %get3A_48 = arith.constant 0 : index
    %get3A_49 = arith.constant 0 : index
    %get3A_50 = vector.load %arg9[%get3A_48, %get3A_49] : memref<1x128xf32, #tpu.memory_space<vmem>>, vector<1x128xf32>
    %add3A_51 = vector.broadcast %get3A_50 : vector<1x128xf32> to vector<1000x128xf32>
    %add3A_52 = arith.addf %add3A_47, %add3A_51 : vector<1000x128xf32>
    %logistic3A = arith.negf %add3A_52 : vector<1000x128xf32>
    %logistic3A_53 = math.exp %logistic3A : vector<1000x128xf32>
    %logistic3A_54 = arith.constant 1.000000e+00 : f32
    %logistic3A_55 = vector.broadcast %logistic3A_54 : f32 to vector<1000x128xf32>
    %logistic3A_56 = arith.addf %logistic3A_55, %logistic3A_53 : vector<1000x128xf32>
    %logistic3A_57 = arith.divf %logistic3A_55, %logistic3A_56 : vector<1000x128xf32>
    %get3A_58 = arith.constant 0 : index
    %get3A_59 = arith.constant 0 : index
    %get3A_60 = vector.load %arg10[%get3A_58, %get3A_59] : memref<128x128xf32, #tpu.memory_space<vmem>>, vector<128x128xf32>
    %dot_general3A_61 = arith.constant dense<0.000000e+00> : vector<1000x128xf32>
    %dot_general3A_62 = tpu.matmul %max3A_34, %get3A_60, %dot_general3A_61 {dimension_numbers = #tpu.dot_dimension_numbers<[1], [0], [0], [1], [0, 0, 1, 1], [], []>, transpose_lhs_hint = false} : vector<1000x128xf32>, vector<128x128xf32>, vector<1000x128xf32> -> vector<1000x128xf32>
    %get3A_63 = arith.constant 0 : index
    %get3A_64 = arith.constant 0 : index
    %get3A_65 = vector.load %arg11[%get3A_63, %get3A_64] : memref<128x128xf32, #tpu.memory_space<vmem>>, vector<128x128xf32>
    %dot_general3A_66 = arith.constant dense<0.000000e+00> : vector<1000x128xf32>
    %dot_general3A_67 = tpu.matmul %get3A_37, %get3A_65, %dot_general3A_66 {dimension_numbers = #tpu.dot_dimension_numbers<[1], [0], [0], [1], [0, 0, 1, 1], [], []>, transpose_lhs_hint = false} : vector<1000x128xf32>, vector<128x128xf32>, vector<1000x128xf32> -> vector<1000x128xf32>
    %add3A_68 = arith.addf %dot_general3A_62, %dot_general3A_67 : vector<1000x128xf32>
    %get3A_69 = arith.constant 0 : index
    %get3A_70 = arith.constant 0 : index
    %get3A_71 = vector.load %arg12[%get3A_69, %get3A_70] : memref<1x128xf32, #tpu.memory_space<vmem>>, vector<1x128xf32>
    %add3A_72 = vector.broadcast %get3A_71 : vector<1x128xf32> to vector<1000x128xf32>
    %add3A_73 = arith.addf %add3A_68, %add3A_72 : vector<1000x128xf32>
    %logistic3A_74 = arith.negf %add3A_73 : vector<1000x128xf32>
    %logistic3A_75 = math.exp %logistic3A_74 : vector<1000x128xf32>
    %logistic3A_76 = arith.constant 1.000000e+00 : f32
    %logistic3A_77 = vector.broadcast %logistic3A_76 : f32 to vector<1000x128xf32>
    %logistic3A_78 = arith.addf %logistic3A_77, %logistic3A_75 : vector<1000x128xf32>
    %logistic3A_79 = arith.divf %logistic3A_77, %logistic3A_78 : vector<1000x128xf32>
    %get3A_80 = arith.constant 0 : index
    %get3A_81 = arith.constant 0 : index
    %get3A_82 = vector.load %arg13[%get3A_80, %get3A_81] : memref<128x128xf32, #tpu.memory_space<vmem>>, vector<128x128xf32>
    %dot_general3A_83 = arith.constant dense<0.000000e+00> : vector<1000x128xf32>
    %dot_general3A_84 = tpu.matmul %max3A_34, %get3A_82, %dot_general3A_83 {dimension_numbers = #tpu.dot_dimension_numbers<[1], [0], [0], [1], [0, 0, 1, 1], [], []>, transpose_lhs_hint = false} : vector<1000x128xf32>, vector<128x128xf32>, vector<1000x128xf32> -> vector<1000x128xf32>
    %mul3A_85 = arith.mulf %logistic3A_79, %get3A_37 : vector<1000x128xf32>
    %get3A_86 = arith.constant 0 : index
    %get3A_87 = arith.constant 0 : index
    %get3A_88 = vector.load %arg14[%get3A_86, %get3A_87] : memref<128x128xf32, #tpu.memory_space<vmem>>, vector<128x128xf32>
    %dot_general3A_89 = arith.constant dense<0.000000e+00> : vector<1000x128xf32>
    %dot_general3A_90 = tpu.matmul %mul3A_85, %get3A_88, %dot_general3A_89 {dimension_numbers = #tpu.dot_dimension_numbers<[1], [0], [0], [1], [0, 0, 1, 1], [], []>, transpose_lhs_hint = false} : vector<1000x128xf32>, vector<128x128xf32>, vector<1000x128xf32> -> vector<1000x128xf32>
    %add3A_91 = arith.addf %dot_general3A_84, %dot_general3A_90 : vector<1000x128xf32>
    %get3A_92 = arith.constant 0 : index
    %get3A_93 = arith.constant 0 : index
    %get3A_94 = vector.load %arg15[%get3A_92, %get3A_93] : memref<1x128xf32, #tpu.memory_space<vmem>>, vector<1x128xf32>
    %add3A_95 = vector.broadcast %get3A_94 : vector<1x128xf32> to vector<1000x128xf32>
    %add3A_96 = arith.addf %add3A_91, %add3A_95 : vector<1000x128xf32>
    %tanh3A = math.tanh %add3A_96 : vector<1000x128xf32>
    %sub3A_97 = arith.constant 1.000000e+00 : f32
    %sub3A_98 = vector.broadcast %sub3A_97 : f32 to vector<1000x128xf32>
    %sub3A_99 = arith.subf %sub3A_98, %logistic3A_57 : vector<1000x128xf32>
    %mul3A_100 = arith.mulf %sub3A_99, %get3A_37 : vector<1000x128xf32>
    %mul3A_101 = arith.mulf %logistic3A_57, %tanh3A : vector<1000x128xf32>
    %add3A_102 = arith.addf %mul3A_100, %mul3A_101 : vector<1000x128xf32>
    %swap3A = arith.constant 0 : index
    %swap3A_103 = arith.constant 0 : index
    %swap3A_104 = vector.load %arg16[%swap3A, %swap3A_103] : memref<1000x128xf32, #tpu.memory_space<vmem>>, vector<1000x128xf32>
    tpu.vector_store %arg16[%swap3A, %swap3A_103], %add3A_102 {strides = array<i32>} : memref<1000x128xf32, #tpu.memory_space<vmem>>, vector<1000x128xf32>,
    return
  }
  func.func @transform_0(%arg0: i32) -> (i32, i32) {
    %c0_i32 = arith.constant 0 : i32
    %c0_i32_0 = arith.constant 0 : i32
    return %arg0, %c0_i32 : i32, i32
  }
  func.func @transform_1(%arg0: i32) -> (i32, i32) {
    %c0_i32 = arith.constant 0 : i32
    %c0_i32_0 = arith.constant 0 : i32
    return %arg0, %c0_i32 : i32, i32
  }
  func.func @transform_2(%arg0: i32) -> (i32, i32) {
    %c0_i32 = arith.constant 0 : i32
    %c0_i32_0 = arith.constant 0 : i32
    %c0_i32_1 = arith.constant 0 : i32
    return %c0_i32, %c0_i32_0 : i32, i32
  }
  func.func @transform_3(%arg0: i32) -> (i32, i32) {
    %c0_i32 = arith.constant 0 : i32
    %c0_i32_0 = arith.constant 0 : i32
    %c0_i32_1 = arith.constant 0 : i32
    return %c0_i32, %c0_i32_0 : i32, i32
  }
  func.func @transform_4(%arg0: i32) -> (i32, i32) {
    %c0_i32 = arith.constant 0 : i32
    %c0_i32_0 = arith.constant 0 : i32
    %c0_i32_1 = arith.constant 0 : i32
    return %c0_i32, %c0_i32_0 : i32, i32
  }
  func.func @transform_5(%arg0: i32) -> (i32, i32) {
    %c0_i32 = arith.constant 0 : i32
    %c0_i32_0 = arith.constant 0 : i32
    %c0_i32_1 = arith.constant 0 : i32
    return %c0_i32, %c0_i32_0 : i32, i32
  }
  func.func @transform_6(%arg0: i32) -> (i32, i32) {
    %c0_i32 = arith.constant 0 : i32
    %c0_i32_0 = arith.constant 0 : i32
    %c0_i32_1 = arith.constant 0 : i32
    return %c0_i32, %c0_i32_0 : i32, i32
  }
  func.func @transform_7(%arg0: i32) -> (i32, i32) {
    %c0_i32 = arith.constant 0 : i32
    %c0_i32_0 = arith.constant 0 : i32
    %c0_i32_1 = arith.constant 0 : i32
    return %c0_i32, %c0_i32_0 : i32, i32
  }
  func.func @transform_8(%arg0: i32) -> (i32, i32) {
    %c0_i32 = arith.constant 0 : i32
    %c0_i32_0 = arith.constant 0 : i32
    %c0_i32_1 = arith.constant 0 : i32
    return %c0_i32, %c0_i32_0 : i32, i32
  }
  func.func @transform_9(%arg0: i32) -> (i32, i32) {
    %c0_i32 = arith.constant 0 : i32
    %c0_i32_0 = arith.constant 0 : i32
    %c0_i32_1 = arith.constant 0 : i32
    return %c0_i32, %c0_i32_0 : i32, i32
  }
  func.func @transform_10(%arg0: i32) -> (i32, i32) {
    %c0_i32 = arith.constant 0 : i32
    %c0_i32_0 = arith.constant 0 : i32
    %c0_i32_1 = arith.constant 0 : i32
    return %c0_i32, %c0_i32_0 : i32, i32
  }
  func.func @transform_11(%arg0: i32) -> (i32, i32) {
    %c0_i32 = arith.constant 0 : i32
    %c0_i32_0 = arith.constant 0 : i32
    %c0_i32_1 = arith.constant 0 : i32
    return %c0_i32, %c0_i32_0 : i32, i32
  }
  func.func @transform_12(%arg0: i32) -> (i32, i32) {
    %c0_i32 = arith.constant 0 : i32
    %c0_i32_0 = arith.constant 0 : i32
    %c0_i32_1 = arith.constant 0 : i32
    return %c0_i32, %c0_i32_0 : i32, i32
  }
  func.func @transform_13(%arg0: i32) -> (i32, i32) {
    %c0_i32 = arith.constant 0 : i32
    %c0_i32_0 = arith.constant 0 : i32
    %c0_i32_1 = arith.constant 0 : i32
    return %c0_i32, %c0_i32_0 : i32, i32
  }
  func.func @transform_14(%arg0: i32) -> (i32, i32) {
    %c0_i32 = arith.constant 0 : i32
    %c0_i32_0 = arith.constant 0 : i32
    %c0_i32_1 = arith.constant 0 : i32
    return %c0_i32, %c0_i32_0 : i32, i32
  }
  func.func @transform_15(%arg0: i32) -> (i32, i32) {
    %c0_i32 = arith.constant 0 : i32
    %c0_i32_0 = arith.constant 0 : i32
    return %arg0, %c0_i32 : i32, i32
  }
}

</mosaic_0001>

<sc_bundles>
// kernel: kernel.5.cloned.1.call-start
scs
__scs_entry_jumppad:
0x0: {  	(pc) =	sbr.rel $0x88, $3  }
0x1: {  	(tag) =	ssettag $0x0;
	lr =	simm.s32 $0x1  }
0x2: {  	[smem:$0x3F92] =	sst lr;
	_ =	strace $0xD0000000  }
0x3: {  	_ = 	snop  }
0x4: {  	_ = 	snop  }
0x5: {  	_ = 	snop  }
0x6: {  	_ = 	snop  }
0x7: {  	_ = 	snop  }
__scs_overlays_trampoline_lowered:
0x8: {  	[smem:$0x3FA1] =	sst s0  }
0x9: {  	[smem:$0x3FA2] =	sst s1  }
0xa: {  	[smem:$0x3FA3] =	sst s2  }
0xb: {  	[smem:$0x3FA4] =	sst s3  }
0xc: {  	[smem:$0x3FA5] =	sst s4  }
0xd: {  	[smem:$0x3FA6] =	sst s5  }
0xe: {  	[smem:$0x3FA7] =	sst s6  }
0xf: {  	[smem:$0x3FA8] =	sst s7  }
0x10: {  	[smem:$0x3FA9] =	sst s8  }
0x11: {  	[smem:$0x3FAA] =	sst s9;
	s0 =	simm.s32 @!p0 $0x0  }
0x12: {  	s1 =	sld [smem:$0x3F90];
	s0 =	simm.s32 @p0 $0x1  }
0x13: {  	[smem:$0x3FAB] =	sst s0;
	s0 =	simm.s32 @!p1 $0x0  }
0x14: {  	s2 =	sld [smem:$0x3F8F];
	s0 =	simm.s32 @p1 $0x1  }
0x15: {  	[smem:$0x3FAC] =	sst s0;
	s0 =	simm.s32 @!p2 $0x0  }
0x16: {  	s3 =	sld [smem:$0x3FDB];
	s0 =	simm.s32 @p2 $0x1  }
0x17: {  	s4 =	simm.s32 $0x1BF5;
	[smem:$0x3FAE] =	sst s0  }
0x18: {  	s0 =	sld [smem:$0x3F91];
	_ =	swait.ge [sflag:s4], $0x0  }
0x19: {  	s7 =	sld [smem:$0x3F92]  }
0x1a: {  	s8 =	sadd.s32 $0xFFFFE003, lr  }
0x1b: {  	s9 =	sadd.s32 $0xFFFFFEF7, lr;
	s5 =	simm.s32 $0xFFFFFFFF;
	p2 =	slt.u32 s8, $0xFFFFF086  }
0x1c: {  	p1 =	slt.u32 s9, $0xF7A;
	s5 =	simm.s32 @!p2 $0x0  }
0x1d: {  	s5 =	simm.s32 @p1 $0x1;
	p0 =	seq.s32 s7, s2  }
0x1e: {  	s7 =	smul.u32 @!p0 $0xF7A, s2;
	p2 =	seq.s32 @!p0 s5, $0x0  }
0x1f: {  	s9 =	smul.u32 $0xF7A, s1;
	s8 =	simm.s32 @!p0 $0x1BF5;
	p2 =	por !p2, p0  }
0x20: {  	[sflag:s8] =	ssyncset.s32 @!p0 $0xFFFFF086;
	s6 =	sadd.s32 @!p0 s3, s7;
	s7 =	simm.s32 @!p0 $0x108  }
0x21: {  	s3 =	sadd.s32 s3, s9;
	s6 =	sadd.s32 @!p0 $0x88, s6;
	s7 =	simm.s32 @p2 $0x1082  }
0x22: {  	[simem:s7], [sflag:s8] =	dma.local @!p0 [hbm:s6], $0xF7A  }
0x23: {  	s9 =	sor.u32 $0xD0000000, s2;
	s6 =	simm.s32 $0x108;
	_ =	swait.ge @!p0 [sflag:s8], $0x0  }
0x24: {  	s3 =	sadd.s32 $0x88, s3;
	s6 =	simm.s32 @!p1 $0x1082;
	[sflag:s4] =	ssyncset.s32 $0xFFFFF086  }
0x25: {  	[simem:s6], [sflag:s4] =	dma.local [hbm:s3], $0xF7A  }
0x26: {  	[smem:$0x3F92] =	sst s1;
	(tag) =	ssettag s2;
	_ =	strace s9  }
0x27: {  	s1 =	sld [smem:$0x3FA2]  }
0x28: {  	s2 =	sld [smem:$0x3FA3]  }
0x29: {  	s4 =	sld [smem:$0x3FA5]  }
0x2a: {  	p0 =	seq.s32 s5, $0x0;
	s5 =	sld [smem:$0x3FA6]  }
0x2b: {  	s6 =	sld [smem:$0x3FA7]  }
0x2c: {  	s7 =	sld [smem:$0x3FA8]  }
0x2d: {  	s3 =	simm.s32 $0x108;
	s8 =	sld [smem:$0x3FA9]  }
0x2e: {  	s3 =	simm.s32 @!p0 $0x1082;
	s9 =	sld [smem:$0x3FAA]  }
0x2f: {  	lr =	sadd.s32 s0, s3;
	s0 =	sld [smem:$0x3FA1]  }
0x30: {  	s3 =	sld [smem:$0x3FA4]  }
0x31: {  	[smem:$0x3FAD] =	sst s10  }
0x32: {  	s10 =	sld [smem:$0x3FAB];
	_ =	sdelay $0x3  }
0x33: {  	p0 =	seq.s32 s10, $0x1;
	s10 =	sld [smem:$0x3FAD];
	_ =	sdelay $0x3  }
0x34: {  	[smem:$0x3FAD] =	sst s10  }
0x35: {  	s10 =	sld [smem:$0x3FAC];
	_ =	sdelay $0x3  }
0x36: {  	p1 =	seq.s32 s10, $0x1;
	s10 =	sld [smem:$0x3FAD];
	_ =	sdelay $0x3  }
0x37: {  	[smem:$0x3FAD] =	sst s10  }
0x38: {  	s10 =	sld [smem:$0x3FAE]  }
0x39: {  	_ = 	snop;
	(pc) =	sbr.ind lr, $3  }
0x3a: {  	_ = 	snop  }
0x3b: {  	_ = 	snop  }
0x3c: {  	p2 =	seq.s32 s10, $0x1;
	s10 =	sld [smem:$0x3FAD]  }
0x3d: {  	_ =	shalt  }
0x3e: {  	_ =	shalt  }
0x3f: {  	_ =	shalt  }
0x40: {  	_ =	shalt  }
0x41: {  	_ =	shalt  }
0x42: {  	_ =	shalt  }
0x43: {  	_ =	shalt  }
0x44: {  	_ =	shalt  }
0x45: {  	_ =	shalt  }
0x46: {  	_ =	shalt  }
0x47: {  	_ =	shalt  }
0x48: {  	_ =	shalt  }
0x49: {  	_ =	shalt  }
0x4a: {  	_ =	shalt  }
0x4b: {  	_ =	shalt  }
0x4c: {  	_ =	shalt  }
0x4d: {  	_ =	shalt  }
0x4e: {  	_ =	shalt  }
0x4f: {  	_ =	shalt  }
0x50: {  	_ =	shalt  }
0x51: {  	_ =	shalt  }
0x52: {  	_ =	shalt  }
0x53: {  	_ =	shalt  }
0x54: {  	_ =	shalt  }
0x55: {  	_ =	shalt  }
0x56: {  	_ =	shalt  }
0x57: {  	_ =	shalt  }
0x58: {  	_ =	shalt  }
0x59: {  	_ =	shalt  }
0x5a: {  	_ =	shalt  }
0x5b: {  	_ =	shalt  }
0x5c: {  	_ =	shalt  }
0x5d: {  	_ =	shalt  }
0x5e: {  	_ =	shalt  }
0x5f: {  	_ =	shalt  }
0x60: {  	_ =	shalt  }
0x61: {  	_ =	shalt  }
0x62: {  	_ =	shalt  }
0x63: {  	_ =	shalt  }
0x64: {  	_ =	shalt  }
0x65: {  	_ =	shalt  }
0x66: {  	_ =	shalt  }
0x67: {  	_ =	shalt  }
0x68: {  	_ =	shalt  }
0x69: {  	_ =	shalt  }
0x6a: {  	_ =	shalt  }
0x6b: {  	_ =	shalt  }
0x6c: {  	_ =	shalt  }
0x6d: {  	_ =	shalt  }
0x6e: {  	_ =	shalt  }
0x6f: {  	_ =	shalt  }
0x70: {  	_ =	shalt  }
0x71: {  	_ =	shalt  }
0x72: {  	_ =	shalt  }
0x73: {  	_ =	shalt  }
0x74: {  	_ =	shalt  }
0x75: {  	_ =	shalt  }
0x76: {  	_ =	shalt  }
0x77: {  	_ =	shalt  }
0x78: {  	_ =	shalt  }
0x79: {  	_ =	shalt  }
0x7a: {  	_ =	shalt  }
0x7b: {  	_ =	shalt  }
0x7c: {  	_ =	shalt  }
0x7d: {  	_ =	shalt  }
0x7e: {  	_ =	shalt  }
0x7f: {  	_ =	shalt  }
0x80: {  	_ =	shalt  }
0x81: {  	_ =	shalt  }
0x82: {  	_ =	shalt  }
0x83: {  	_ =	shalt  }
0x84: {  	_ =	shalt  }
0x85: {  	_ =	shalt  }
0x86: {  	_ =	shalt  }
0x87: {  	_ =	shalt  }
.Lfunc_end0:
.L_simem_size_0:
called_computation_lowered:
.L_overlay_start_0:
0x88: {  	s2 =	sld [smem:$0x3FD9]  }
0x89: {  	s3 =	sld [smem:$0x3FFE];
	_ =	sdelay $0x1  }
0x8a: {  	s1 =	srdreg.scid  }
0x8b: {  	s0 =	sand.u32 $0x1, s1  }
0x8c: {  	s17 =	sshll.u32 s0, $0xA;
	s2 =	sadd.s32 s3, s2  }
0x8d: {  	s2 =	sadd.s32 s2, s17  }
0x8e: {  	[smem:$0x3FB9] =	sst s2  }
0x8f: {  	_ = 	snop  }
0x90: {  	s2 =	sld [smem:$0x3FC9]  }
0x91: {  	s18 =	sld [smem:$0x3FD0];
	(tm) =	ssettm $0x1  }
0x92: {  	s4 =	sld [smem:$0x3FFB];
	_ =	sdelay $0x3  }
0x93: {  	_ =	strace s4  }
0x94: {  	s4 =	sld [smem:$0x3FFC];
	_ =	sdelay $0x3  }
0x95: {  	_ =	strace s4  }
0x96: {  	s4 =	sld [smem:$0x3FFD];
	_ =	sdelay $0x3  }
0x97: {  	_ =	strace s4  }
0x98: {  	_ =	strace $0x8FFFFFFF  }
0x99: {  	s19 =	sld [smem:$0x3FDB];
	_ =	sdelay $0x1  }
0x9a: {  	s5 =	simm.s32 $_scs_section_size  }
0x9b: {  	s6 =	simm.s32 $_size__tile_overlayer_lowered;
	s7 =	simm.s32 $_tile_overlayer_lowered  }
0x9c: {  	s22 =	simm.s32 $0x1BFF;
	s21 =	sshll.u32 s7, $0x1;
	s4 =	sadd.s32 s5, s19  }
0x9d: {  	s8 =	simm.s32 $0x0;
	s20 =	sshll.u32 s6, $0x1;
	s6 =	sadd.s32 s21, s4  }
0x9e: {  	[timem:s8], [sflag:s22] =	dma.local [hbm:s6], s20  }
0x9f: {  	_ =	swait.ge [sflag:s22], s20  }
0xa0: {  	s5 =	ssub.s32 $0x0, s20;
	[sflag:s22] =	ssyncset.done $0x0  }
0xa1: {  	[sflag:s22] =	ssyncadd.s32 s5;
	_ =	sdelay $0x1  }
0xa2: {  	s23 =	simm.s32 $0x1B8B  }
0xa3: {  	_ =	swait.ge [sflag:s23], $0x1  }
0xa4: {  	[sflag:s23] =	ssyncset.done $0x0  }
0xa5: {  	s25 =	simm.s32 $0x1B8E;
	s24 =	sld [smem:$0x3FFE];
	[sflag:s23] =	ssyncadd.s32 $0xFFFFFFFF  }
0xa6: {  	s26 =	simm.s32 $execute0_lowered;
	[smem:$0x3FD2] =	sst s25  }
0xa7: {  	s6 =	sshll.u32 s26, $0x1;
	_ =	strace $0x80000046;
	[dreg:$0x1] =	wrdreg $0xFFFFFFFF  }
0xa8: {  	s28 =	simm.s32 $_size_execute0_lowered;
	s4 =	sadd.s32 s4, s6;
	[dreg:$0x0] =	wrdreg $0x0  }
0xa9: {  	s6 =	sshll.u32 s28, $0x1;
	[dreg:$0x2] =	wrdreg s4  }
0xaa: {  	[dreg:$0x3] =	wrdreg s6  }
0xab: {  	[dreg:$0x4] =	wrdreg $0xC0  }
0xac: {  	_ =	task [dreg:s8], $0x5FFFF  }
0xad: {  	[dreg:$0x1] =	wrdreg $0xFFFFFFFF  }
0xae: {  	[dreg:$0x0] =	wrdreg $0x60  }
0xaf: {  	[dreg:$0x2] =	wrdreg s2  }
0xb0: {  	[dreg:$0x3] =	wrdreg s24  }
0xb1: {  	[dreg:$0x4] =	wrdreg s18  }
0xb2: {  	[dreg:$0x5] =	wrdreg $0x7B000  }
0xb3: {  	[dreg:$0x6] =	wrdreg $0x9  }
0xb4: {  	_ =	task.clear_ibuf [dreg:s8], $0x7FFFF;
	_ =	strace $0x90000046  }
0xb5: {  	s29 =	simm.s32 $0x9;
	_ =	strace $0x80000048  }
0xb6: {  	_ =	swait.ge [sflag:s29], $0x1  }
0xb7: {  	[sflag:s29] =	ssyncadd.s32 $0xFFFFFFFF  }
0xb8: {  	_ =	strace $0x90000048  }
0xb9: {  	_ =	sfence  }
0xba: {  	s30 =	sld [smem:$0x0];
	_ =	sdelay $0x2  }
0xbb: {  	s31 =	sshll.u32 s1, $0xD;
	s1 =	sshrl.u32 s1, $0x2  }
0xbc: {  	s3 =	sand.u32 $0x4000, s31;
	s1 =	sadd.s32 s1, s30  }
0xbd: {  	s0 =	sor.u32 s3, s0;
	s1 =	sshll.u32 s1, $0x11  }
0xbe: {  	s0 =	sor.u32 s1, s0  }
0xbf: {  	s0 =	sadd.s32 $0x8F2B, s0  }
0xc0: {  	[sflag:s0] =	ssyncadd.remote.s32 $0x1  }
0xc1: {  	_ =	sfence.sel $0xFFFF  }
0xc2: {  	[dreg:$0x0] =	wrdreg $0xFFFFFFFF;
	(pc) =	sbr.abs _section_cstart, $3  }
0xc3: {  	[dreg:$0x1] =	wrdreg $0xFFFFFFFF  }
0xc4: {  	_ =	task.clear_ibuf [dreg:s8], $0x2FFFF;
	_ =	strace $0x9FFFFFFF  }
0xc5: {  	(tm) =	ssettm $0x7FFFFFFF  }
tec
execute0_lowered:
.L_overlay_start_1:
0x0: {  	(tag) =	ssettag $0x1  }
0x1: {  	s0 =	rddreg [dreg:$0x0]  }
0x2: {  	s1 =	rddreg [dreg:$0x1]  }
0x3: {  	s2 =	srdreg.scid;
	s6 =	rddreg [dreg:$0x2]  }
0x4: {  	s3 =	rddreg [dreg:$0x3];
	s18 =	stileid.u32  }
0x5: {  	s4 =	simm.s32 $0x0;
	s28 =	simm.s32 $0x200;
	s29 =	simm.s32 $0x5  }
0x6: {  	s30 =	simm.s32 $0x3;
	s31 =	simm.s32 $0x2;
	s9 =	smul.u32 $0x4E000, s18  }
0x7: {  	s2 =	sand.u32 $0x1, s2;
	[smem:$0x7FF] =	sst s4;
	s11 =	smul.u32 $0x2700, s18  }
0x8: {  	s13 =	sadd.s32 $0x15E00, s1;
	s24 =	sadd.s32 $0x124800, s3;
	s17 =	smul.u32 $0x13800, s18  }
0x9: {  	p0 =	seq.s32 s18, $0xF;
	s5 =	sshll.u32 s2, $0x4;
	s16 =	smul.u32 $0x138800, s2  }
0xa: {  	_ =	strace $0x80000047;
	s10 =	ssub.s32 $0x2, s2;
	s19 =	smul.u32 $0x4E200, s2  }
0xb: {  	[dreg:$0x7] =	wrdreg s24;
	s2 =	smul.u32 $0x7D0, s2;
	s7 =	sor.u32 s18, s5  }
0xc: {  	s5 =	sadd.s32 $0x2400, s1;
	s1 =	sadd.s32 $0x64000, s1;
	s8 =	smul.u32 $0x7D, s7  }
0xd: {  	s12 =	sshrl.u32 s10, $0x1;
	s9 =	sshrl.u32 s9, $0x2;
	s14 =	smul.u32 $0x9C4, s7  }
0xe: {  	s23 =	sadd.s32 s6, s11;
	s15 =	ssub.s32 s10, s12;
	s21 =	smul.u32 $0x4E20, s7  }
0xf: {  	s22 =	sadd.s32 s9, s3;
	[dreg:$0x6] =	wrdreg s23;
	s9 =	sadd.s32 $0x24900, s6  }
0x10: {  	[dreg:$0x5] =	wrdreg s22;
	s10 =	sadd.s32 s5, s14;
	s14 =	sadd.s32 s17, s16  }
0x11: {  	s7 =	sadd.s32 $0x7C, s8;
	s17 =	sshrl.u32 s16, $0x3;
	s8 =	sshrl.u32 s14, $0x3  }
0x12: {  	s25 =	sshrl.u32 s21, $0x3;
	s14 =	sadd.s32 $0x24900, s17;
	s20 =	sadd.s32 s13, s8  }
0x13: {  	s26 =	sadd.s32 s5, s25;
	s22 =	sadd.s32 s13, s14;
	[dreg:$0x8] =	wrdreg s20  }
0x14: {  	s21 =	smul.u32 $0x4E20, s18;
	s6 =	sadd.s32 $0x28, s26;
	[dreg:$0x9] =	wrdreg s22  }
0x15: {  	s25 =	smul.u32 $0x7D, s18;
	s23 =	sadd.s32 s1, s8;
	[dreg:$0xa] =	wrdreg s6  }
0x16: {  	s11 =	sadd.s32 $0x14, s26;
	s1 =	sadd.s32 s1, s14;
	[dreg:$0xb] =	wrdreg s23  }
0x17: {  	s24 =	sadd.s32 s21, s19;
	s26 =	smax.u32 s15, $0x1;
	[dreg:$0xc] =	wrdreg s1  }
0x18: {  	s21 =	simm.s32 $0x50;
	[dreg:$0xd] =	wrdreg s26;
	s16 =	sadd.s32 $0x140, s24  }
0x19: {  	s20 =	sadd.s32 s25, s2;
	s22 =	simm.s32 $0x300;
	s23 =	simm.s32 $0x100  }
0x1a: {  	s24 =	simm.s32 $0x4;
	s25 =	simm.s32 $0x2B00;
	s26 =	simm.s32 $0x1  }
0x1b: {  	v0 =	vimm.f32 $1.000000000e+00;
	s1 =	simm.s32 $0x280;
	s2 =	simm.s32 $0x5300;
	s6 =	simm.s32 $0x0  }
.LBB2_1:
0x1c: {  	s8 =	rddreg [dreg:$0x7]  }
0x1d: {  	s13 =	simm.s32 @p0 $0x1FC5;
	s8 =	sshrl.u32 @p0 s8, $0x3  }
0x1e: {  	[spmem:s8], [sflag:s13] =	dma.local @p0 [hbm:s9], $0x2800  }
0x1f: {  	s13 =	simm.s32 @p0 $0x5  }
0x20: {  	_ =	swait.ge @p0 [sflag:s13], $0x2800  }
0x21: {  	s12 =	stileid.u32;
	s15 =	simm.s32 @!p0 $0x5;
	[sflag:s13] =	ssyncset.done @p0 $0x0  }
0x22: {  	s14 =	sshll.u32 @!p0 s12, $0x6;
	s12 =	rddreg [dreg:$0x5];
	[sflag:s13] =	ssyncadd.s32 @p0 $0xFFFFD800  }
0x23: {  	s13 =	sor.u32 @!p0 $0x1C05, s14;
	s14 =	sshrl.u32 @!p0 s12, $0x3;
	s12 =	rddreg [dreg:$0x6]  }
0x24: {  	[spmem:s14], [sflag:s13] =	dma.local @!p0 [hbm:s12], $0x2700  }
0x25: {  	_ =	swait.ge @!p0 [sflag:s15], $0x2700  }
0x26: {  	[sflag:s15] =	ssyncset.done @!p0 $0x0  }
0x27: {  	s17 =	simm.s32 $0x3C0;
	[sflag:s15] =	ssyncadd.s32 @!p0 $0xFFFFD900;
	s15 =	simm.s32 $0x70  }
.LBB2_2:
0x28: {  	p1 =	sne.s32 s17, $0x9FC0;
	[tilespmem:s15+$0x5300] =	vst v0  }
0x29: {  	[tilespmem:s15+$0x5290] =	vst v0  }
0x2a: {  	[tilespmem:s15+$0x52A0] =	vst v0  }
.Ltmp0:
0x2b: {  	[tilespmem:s15+$0x52B0] =	vst v0;
	(pc) =	sbr.rel @p1 .LBB2_2-.Ltmp0, $4  }
0x2c: {  	[tilespmem:s15+$0x52C0] =	vst v0  }
0x2d: {  	[tilespmem:s15+$0x52D0] =	vst v0  }
0x2e: {  	[tilespmem:s15+$0x52E0] =	vst v0  }
0x2f: {  	[tilespmem:s15+$0x52F0] =	vst v0;
	s15 =	sshra.s32 s17, $0x2;
	s17 =	sadd.s32 $0x200, s17  }
0x30: {  	[tilespmem:s15+$0x5300] =	vst v0  }
0x31: {  	[tilespmem:s15+$0x5290] =	vst v0  }
0x32: {  	[tilespmem:s15+$0x52A0] =	vst v0  }
0x33: {  	[tilespmem:s15+$0x52B0] =	vst v0  }
0x34: {  	[tilespmem:s15+$0x52C0] =	vst v0  }
0x35: {  	[tilespmem:s15+$0x52D0] =	vst v0  }
0x36: {  	[tilespmem:s15+$0x52E0] =	vst v0  }
0x37: {  	[tilespmem:s15+$0x52F0] =	vst v0  }
0x38: {  	s18 =	simm.s32 $0x3;
	[bflag:$0x0] =	sbarrier.arrive $0xFFFF  }
0x39: {  	[tilespmem:s4], [sflag:$0x3] =	stream.linear.gather [hbm4b:s10+s4], $0xA0, $0x38;
	[tilespmem:$0x1B380] =	vst v63  }
0x3a: {  	_ =	swait.ge [sflag:s18], $0xA0  }
0x3b: {  	[sflag:s18] =	ssyncset.done $0x0  }
0x3c: {  	[sflag:s18] =	ssyncadd.s32 $0xFFFFFF60  }
0x3d: {  	v1 =	vld [tilespmem:$0x50]  }
0x3e: {  	v2 =	vld [tilespmem:$0x60]  }
0x3f: {  	v3 =	vld [tilespmem:$0x70]  }
0x40: {  	v4 =	vld [tilespmem:$0x80]  }
0x41: {  	v5 =	vld [tilespmem:$0x90]  }
0x42: {  	[tilespmem:$0x200] =	vst v1  }
0x43: {  	[tilespmem:$0x210] =	vst v2  }
0x44: {  	[tilespmem:$0x220] =	vst v3  }
0x45: {  	[tilespmem:$0x230] =	vst v4  }
0x46: {  	[tilespmem:$0x240] =	vst v5  }
0x47: {  	[tilespmem:s22], [sflag:$0x1] =	stream.indirect.gather [hbm4b:s0+s21], $0x80, s4, s21, $0xb8;
	[tilespmem:$0x1B380] =	vst v63  }
0x48: {  	_ = 	snop  }
0x49: {  	[tilespmem:s23], [sflag:$0x4] =	stream.linear.gather [hbm4b:s11+s4], $0xA0, $0x38;
	[tilespmem:$0x1B380] =	vst v63  }
0x4a: {  	_ =	swait.ge [sflag:s24], $0xA0  }
0x4b: {  	[sflag:s24] =	ssyncset.done $0x0  }
0x4c: {  	[sflag:s24] =	ssyncadd.s32 $0xFFFFFF60  }
0x4d: {  	v1 =	vld [tilespmem:$0x190]  }
0x4e: {  	v2 =	vld [tilespmem:$0x180]  }
0x4f: {  	v3 =	vld [tilespmem:$0x150]  }
0x50: {  	v60 =	vld [tilespmem:$0x170]  }
0x51: {  	v61 =	vld [tilespmem:$0x160]  }
0x52: {  	[tilespmem:$0x2C0] =	vst v1  }
0x53: {  	[tilespmem:$0x2B0] =	vst v2  }
0x54: {  	[tilespmem:$0x280] =	vst v3  }
0x55: {  	[tilespmem:$0x2A0] =	vst v60  }
0x56: {  	[tilespmem:$0x290] =	vst v61  }
0x57: {  	[tilespmem:s25], [sflag:$0x2] =	stream.indirect.gather [hbm4b:s0+s21], $0x80, s23, s21, $0xb8;
	[tilespmem:$0x1B380] =	vst v63  }
0x58: {  	_ =	swait.ge [sflag:s26], $0x2800  }
0x59: {  	s19 =	sshrl.u32 s16, $0x3;
	[sflag:s26] =	ssyncset.done $0x0  }
0x5a: {  	s15 =	sadd.s32 s5, s19;
	[sflag:s26] =	ssyncadd.s32 $0xFFFFD800  }
0x5b: {  	[tilespmem:s4], [sflag:$0x3] =	stream.linear.gather [hbm4b:s15+s4], $0xA0, $0x38;
	[tilespmem:$0x1B380] =	vst v63  }
0x5c: {  	_ = 	snop  }
0x5d: {  	[spmem:s3] =	stream.indirect.scatter.add.f32 [tilespmem:s22], [sflag:$0x5], $0x80, s28, s21, $0xb8;
	[tilespmem:$0x1B380] =	vst v63  }
0x5e: {  	_ =	swait.ge [sflag:s29], $0x2800  }
0x5f: {  	[sflag:s29] =	ssyncset.done $0x0  }
0x60: {  	[sflag:s29] =	ssyncadd.s32 $0xFFFFD800  }
0x61: {  	_ =	swait.ge [sflag:s30], $0xA0  }
0x62: {  	[sflag:s30] =	ssyncset.done $0x0  }
0x63: {  	[sflag:s30] =	ssyncadd.s32 $0xFFFFFF60  }
0x64: {  	v1 =	vld [tilespmem:$0x50]  }
0x65: {  	v2 =	vld [tilespmem:$0x90]  }
0x66: {  	v3 =	vld [tilespmem:$0x80]  }
0x67: {  	v62 =	vld [tilespmem:$0x60]  }
0x68: {  	v63 =	vld [tilespmem:$0x70]  }
0x69: {  	[tilespmem:$0x200] =	vst v1  }
0x6a: {  	[tilespmem:$0x240] =	vst v2  }
0x6b: {  	s19 =	sadd.s32 $0x3, s20;
	[tilespmem:$0x230] =	vst v3  }
0x6c: {  	s17 =	smov.u32 s7;
	p1 =	slt.s32 s19, s7;
	[tilespmem:$0x210] =	vst v62  }
0x6d: {  	s17 =	smov.u32 @p1 s19;
	s19 =	smov.u32 s16;
	s15 =	simm.s32 $0x5;
	[tilespmem:$0x220] =	vst v63  }
0x6e: {  	[tilespmem:s22], [sflag:$0x1] =	stream.indirect.gather [hbm4b:s0+s21], $0x80, s4, s21, $0xb8;
	[tilespmem:$0x1B380] =	vst v63  }
.LBB2_4:
0x6f: {  	_ =	swait.ge [sflag:s31], $0x2800  }
0x70: {  	s18 =	smul.u32 $0x14, s17;
	s19 =	sadd.s32 $0x140, s19;
	s17 =	smov.u32 s15  }
0x71: {  	p1 =	sne.s32 s15, $0x7D;
	s15 =	sadd.s32 $0x2, s15;
	[sflag:s31] =	ssyncset.done $0x0  }
0x72: {  	[sflag:s31] =	ssyncadd.s32 $0xFFFFD800;
	s18 =	sadd.s32 s5, s18  }
0x73: {  	[tilespmem:s23], [sflag:$0x4] =	stream.linear.gather [hbm4b:s18+s4], $0xA0, $0x38;
	[tilespmem:$0x1B380] =	vst v63  }
0x74: {  	_ = 	snop  }
0x75: {  	[spmem:s3] =	stream.indirect.scatter.add.f32 [tilespmem:s25], [sflag:$0x5], $0x80, s1, s21, $0xb8;
	[tilespmem:$0x1B380] =	vst v63  }
0x76: {  	_ =	swait.ge [sflag:s29], $0x2800  }
0x77: {  	[sflag:s29] =	ssyncset.done $0x0  }
0x78: {  	[sflag:s29] =	ssyncadd.s32 $0xFFFFD800  }
0x79: {  	_ =	swait.ge [sflag:s24], $0xA0  }
0x7a: {  	[sflag:s24] =	ssyncset.done $0x0  }
0x7b: {  	[sflag:s24] =	ssyncadd.s32 $0xFFFFFF60  }
0x7c: {  	v1 =	vld [tilespmem:$0x190]  }
0x7d: {  	v2 =	vld [tilespmem:$0x180]  }
0x7e: {  	v3 =	vld [tilespmem:$0x150]  }
0x7f: {  	v4 =	vld [tilespmem:$0x170]  }
0x80: {  	v5 =	vld [tilespmem:$0x160]  }
0x81: {  	[tilespmem:$0x2C0] =	vst v1  }
0x82: {  	[tilespmem:$0x2B0] =	vst v2  }
0x83: {  	[tilespmem:$0x280] =	vst v3  }
0x84: {  	[tilespmem:$0x2A0] =	vst v4  }
0x85: {  	[tilespmem:$0x290] =	vst v5  }
0x86: {  	[tilespmem:s25], [sflag:$0x2] =	stream.indirect.gather [hbm4b:s0+s21], $0x80, s23, s21, $0xb8;
	[tilespmem:$0x1B380] =	vst v63  }
0x87: {  	_ =	swait.ge [sflag:s26], $0x2800  }
0x88: {  	s18 =	sshrl.u32 s19, $0x3;
	[sflag:s26] =	ssyncset.done $0x0  }
0x89: {  	s18 =	sadd.s32 s5, s18;
	[sflag:s26] =	ssyncadd.s32 $0xFFFFD800  }
0x8a: {  	[tilespmem:s4], [sflag:$0x3] =	stream.linear.gather [hbm4b:s18+s4], $0xA0, $0x38;
	[tilespmem:$0x1B380] =	vst v63  }
0x8b: {  	_ = 	snop  }
0x8c: {  	[spmem:s3] =	stream.indirect.scatter.add.f32 [tilespmem:s22], [sflag:$0x5], $0x80, s28, s21, $0xb8;
	[tilespmem:$0x1B380] =	vst v63  }
0x8d: {  	_ =	swait.ge [sflag:s29], $0x2800  }
0x8e: {  	[sflag:s29] =	ssyncset.done $0x0  }
0x8f: {  	[sflag:s29] =	ssyncadd.s32 $0xFFFFD800  }
0x90: {  	_ =	swait.ge [sflag:s30], $0xA0  }
0x91: {  	[sflag:s30] =	ssyncset.done $0x0  }
0x92: {  	[sflag:s30] =	ssyncadd.s32 $0xFFFFFF60  }
0x93: {  	v1 =	vld [tilespmem:$0x50]  }
0x94: {  	v2 =	vld [tilespmem:$0x90]  }
0x95: {  	v3 =	vld [tilespmem:$0x80]  }
0x96: {  	v4 =	vld [tilespmem:$0x60]  }
0x97: {  	v5 =	vld [tilespmem:$0x70]  }
0x98: {  	[tilespmem:$0x200] =	vst v1  }
.Ltmp1:
0x99: {  	[tilespmem:$0x240] =	vst v2;
	(pc) =	sbr.rel @p1 .LBB2_4-.Ltmp1, $4  }
0x9a: {  	s18 =	sadd.s32 s17, s20;
	[tilespmem:$0x230] =	vst v3  }
0x9b: {  	s17 =	smov.u32 s7;
	p2 =	slt.s32 s18, s7;
	[tilespmem:$0x210] =	vst v4  }
0x9c: {  	s17 =	smov.u32 @p2 s18;
	[tilespmem:$0x220] =	vst v5  }
0x9d: {  	[tilespmem:s22], [sflag:$0x1] =	stream.indirect.gather [hbm4b:s0+s21], $0x80, s4, s21, $0xb8;
	[tilespmem:$0x1B380] =	vst v63  }
0x9e: {  	_ =	swait.ge [sflag:s31], $0x2800;
	s15 =	smul.u32 $0x14, s17  }
0x9f: {  	[sflag:s31] =	ssyncset.done $0x0  }
0xa0: {  	[sflag:s31] =	ssyncadd.s32 $0xFFFFD800;
	s15 =	sadd.s32 s5, s15  }
0xa1: {  	[tilespmem:s23], [sflag:$0x4] =	stream.linear.gather [hbm4b:s15+s4], $0xA0, $0x38;
	[tilespmem:$0x1B380] =	vst v63  }
0xa2: {  	_ = 	snop  }
0xa3: {  	[spmem:s3] =	stream.indirect.scatter.add.f32 [tilespmem:s25], [sflag:$0x5], $0x80, s1, s21, $0xb8;
	[tilespmem:$0x1B380] =	vst v63  }
0xa4: {  	_ =	swait.ge [sflag:s29], $0x2800  }
0xa5: {  	[sflag:s29] =	ssyncset.done $0x0  }
0xa6: {  	[sflag:s29] =	ssyncadd.s32 $0xFFFFD800  }
0xa7: {  	_ =	swait.ge [sflag:s26], $0x2800  }
0xa8: {  	[sflag:s26] =	ssyncset.done $0x0  }
0xa9: {  	[sflag:s26] =	ssyncadd.s32 $0xFFFFD800  }
0xaa: {  	[spmem:s3] =	stream.indirect.scatter.add.f32 [tilespmem:s22], [sflag:$0x5], $0x80, s28, s21, $0xb8;
	[tilespmem:$0x1B380] =	vst v63  }
0xab: {  	_ =	swait.ge [sflag:s29], $0x2800  }
0xac: {  	[sflag:s29] =	ssyncset.done $0x0  }
0xad: {  	[sflag:s29] =	ssyncadd.s32 $0xFFFFD800  }
0xae: {  	_ =	swait.ge [sflag:s24], $0xA0  }
0xaf: {  	[sflag:s24] =	ssyncset.done $0x0  }
0xb0: {  	[sflag:s24] =	ssyncadd.s32 $0xFFFFFF60  }
0xb1: {  	[bflag:$0x0] =	sbarrier.arrive $0xFFFF  }
0xb2: {  	s17 =	simm.s32 @p0 $0x5;
	s15 =	simm.s32 @p0 $0x1FC5;
	s12 =	rddreg [dreg:$0x9]  }
0xb3: {  	[hbm:s12], [sflag:s15] =	dma.local @p0 [spmem:s8], $0x2800  }
0xb4: {  	_ =	swait.ge @p0 [sflag:s17], $0x2800  }
0xb5: {  	[sflag:s17] =	ssyncset.done @p0 $0x0  }
0xb6: {  	[sflag:s17] =	ssyncadd.s32 @p0 $0xFFFFD800  }
0xb7: {  	[spmem:s8], [sflag:s15] =	dma.local @p0 [hbm:s9], $0x2800  }
0xb8: {  	_ =	swait.ge @p0 [sflag:s17], $0x2800  }
0xb9: {  	[sflag:s17] =	ssyncset.done @p0 $0x0  }
0xba: {  	s15 =	simm.s32 @!p0 $0x5;
	s12 =	rddreg [dreg:$0x8];
	[sflag:s17] =	ssyncadd.s32 @p0 $0xFFFFD800  }
0xbb: {  	[hbm:s12], [sflag:s13] =	dma.local @!p0 [spmem:s14], $0x2700  }
0xbc: {  	_ =	swait.ge @!p0 [sflag:s15], $0x2700  }
0xbd: {  	[sflag:s15] =	ssyncset.done @!p0 $0x0  }
0xbe: {  	s12 =	rddreg [dreg:$0x6];
	[sflag:s15] =	ssyncadd.s32 @!p0 $0xFFFFD900  }
0xbf: {  	[spmem:s14], [sflag:s13] =	dma.local @!p0 [hbm:s12], $0x2700  }
0xc0: {  	_ =	swait.ge @!p0 [sflag:s15], $0x2700  }
0xc1: {  	[sflag:s15] =	ssyncset.done @!p0 $0x0  }
0xc2: {  	[sflag:s15] =	ssyncadd.s32 @!p0 $0xFFFFD900  }
0xc3: {  	[bflag:$0x0] =	sbarrier.arrive $0xFFFF  }
0xc4: {  	[tilespmem:s4], [sflag:$0x3] =	stream.linear.gather [hbm4b:s10+s4], $0xA0, $0x38;
	[tilespmem:$0x1B380] =	vst v63  }
0xc5: {  	_ =	swait.ge [sflag:s30], $0xA0  }
0xc6: {  	[sflag:s30] =	ssyncset.done $0x0  }
0xc7: {  	[sflag:s30] =	ssyncadd.s32 $0xFFFFFF60  }
0xc8: {  	v1 =	vld [tilespmem:$0x50]  }
0xc9: {  	v2 =	vld [tilespmem:$0x60]  }
0xca: {  	v3 =	vld [tilespmem:$0x70]  }
0xcb: {  	v4 =	vld [tilespmem:$0x80]  }
0xcc: {  	v5 =	vld [tilespmem:$0x90]  }
0xcd: {  	[tilespmem:$0x200] =	vst v1  }
0xce: {  	[tilespmem:$0x210] =	vst v2  }
0xcf: {  	[tilespmem:$0x220] =	vst v3  }
0xd0: {  	[tilespmem:$0x230] =	vst v4  }
0xd1: {  	s18 =	rddreg [dreg:$0xa];
	[tilespmem:$0x240] =	vst v5  }
0xd2: {  	[tilespmem:s4], [sflag:$0x3] =	stream.linear.gather [hbm4b:s18+s4], $0xA0, $0x38;
	[tilespmem:$0x1B380] =	vst v63  }
0xd3: {  	_ = 	snop  }
0xd4: {  	[tilespmem:s23], [sflag:$0x4] =	stream.linear.gather [hbm4b:s11+s4], $0xA0, $0x38;
	[tilespmem:$0x1B380] =	vst v63  }
0xd5: {  	_ =	swait.ge [sflag:s24], $0xA0  }
0xd6: {  	[sflag:s24] =	ssyncset.done $0x0  }
0xd7: {  	[sflag:s24] =	ssyncadd.s32 $0xFFFFFF60  }
0xd8: {  	v1 =	vld [tilespmem:$0x180]  }
0xd9: {  	v2 =	vld [tilespmem:$0x150]  }
0xda: {  	v3 =	vld [tilespmem:$0x170]  }
0xdb: {  	v4 =	vld [tilespmem:$0x160]  }
0xdc: {  	v5 =	vld [tilespmem:$0x190]  }
0xdd: {  	[tilespmem:$0x2B0] =	vst v1  }
0xde: {  	s19 =	sadd.s32 $0xFFFFFF84, s20;
	[tilespmem:$0x280] =	vst v2  }
0xdf: {  	s17 =	sadd.s32 $0x7F, s19;
	[tilespmem:$0x2A0] =	vst v3  }
0xe0: {  	p1 =	slt.s32 s17, s7;
	s18 =	smov.u32 s7;
	[tilespmem:$0x290] =	vst v4  }
0xe1: {  	s18 =	smov.u32 @p1 s17;
	[tilespmem:$0x2C0] =	vst v5  }
0xe2: {  	[spmem:s3] =	stream.indirect.scatter.add.f32 [tilespmem:s2], [sflag:$0x1], $0x80, s28, s21, $0xb8;
	[tilespmem:$0x1B380] =	vst v63  }
0xe3: {  	s17 =	smul.u32 $0x14, s18  }
0xe4: {  	[spmem:s3] =	stream.indirect.scatter.add.f32 [tilespmem:s2], [sflag:$0x2], $0x80, s1, s21, $0xb8;
	[tilespmem:$0x1B380] =	vst v63  }
0xe5: {  	s17 =	sadd.s32 s5, s17  }
0xe6: {  	[tilespmem:s23], [sflag:$0x4] =	stream.linear.gather [hbm4b:s17+s4], $0xA0, $0x38;
	[tilespmem:$0x1B380] =	vst v63  }
0xe7: {  	_ =	swait.ge [sflag:s26], $0x2800  }
0xe8: {  	[sflag:s26] =	ssyncset.done $0x0  }
0xe9: {  	[sflag:s26] =	ssyncadd.s32 $0xFFFFD800  }
0xea: {  	_ =	swait.ge [sflag:s30], $0xA0  }
0xeb: {  	[sflag:s30] =	ssyncset.done $0x0  }
0xec: {  	s15 =	sadd.s32 $0x80, s19;
	[sflag:s30] =	ssyncadd.s32 $0xFFFFFF60  }
0xed: {  	p1 =	slt.s32 s15, s7;
	s17 =	smov.u32 s7;
	v1 =	vld [tilespmem:$0x50]  }
0xee: {  	s17 =	smov.u32 @p1 s15;
	v2 =	vld [tilespmem:$0x60]  }
0xef: {  	s15 =	simm.s32 $0xFFFFFF86;
	s17 =	smul.u32 $0x14, s17;
	v3 =	vld [tilespmem:$0x90]  }
.LBB2_6:
0xf0: {  	p1 =	sne.s32 s15, $0xFFFFFFFE;
	v4 =	vld [tilespmem:$0x80];
	s18 =	smov.u32 s15;
	s15 =	sadd.s32 $0x2, s15  }
0xf1: {  	v5 =	vld [tilespmem:$0x70]  }
0xf2: {  	[tilespmem:$0x200] =	vst v1  }
0xf3: {  	[tilespmem:$0x210] =	vst v2  }
0xf4: {  	[tilespmem:$0x240] =	vst v3  }
0xf5: {  	s17 =	sadd.s32 s5, s17;
	[tilespmem:$0x230] =	vst v4  }
0xf6: {  	[tilespmem:$0x220] =	vst v5  }
0xf7: {  	[tilespmem:s4], [sflag:$0x3] =	stream.linear.gather [hbm4b:s17+s4], $0xA0, $0x38;
	[tilespmem:$0x1B380] =	vst v63  }
0xf8: {  	_ =	swait.ge [sflag:s31], $0x2800  }
0xf9: {  	[sflag:s31] =	ssyncset.done $0x0  }
0xfa: {  	[sflag:s31] =	ssyncadd.s32 $0xFFFFD800  }
0xfb: {  	_ =	swait.ge [sflag:s24], $0xA0  }
0xfc: {  	[sflag:s24] =	ssyncset.done $0x0  }
0xfd: {  	[sflag:s24] =	ssyncadd.s32 $0xFFFFFF60  }
0xfe: {  	v1 =	vld [tilespmem:$0x180]  }
0xff: {  	v2 =	vld [tilespmem:$0x150]  }
0x100: {  	v3 =	vld [tilespmem:$0x170]  }
0x101: {  	v4 =	vld [tilespmem:$0x160]  }
0x102: {  	v5 =	vld [tilespmem:$0x190]  }
0x103: {  	s17 =	sadd.s32 s18, s20;
	[tilespmem:$0x2B0] =	vst v1  }
0x104: {  	s18 =	sadd.s32 $0x7F, s17;
	s17 =	sadd.s32 $0x80, s17;
	[tilespmem:$0x280] =	vst v2  }
0x105: {  	s19 =	smov.u32 s7;
	p2 =	slt.s32 s18, s7;
	p3 =	slt.s32 s17, s7;
	[tilespmem:$0x2A0] =	vst v3  }
0x106: {  	s12 =	smov.u32 s7;
	s19 =	smov.u32 @p3 s17;
	[tilespmem:$0x290] =	vst v4  }
0x107: {  	s12 =	smov.u32 @p2 s18;
	s17 =	smul.u32 $0x14, s19;
	[tilespmem:$0x2C0] =	vst v5  }
0x108: {  	[spmem:s3] =	stream.indirect.scatter.add.f32 [tilespmem:s2], [sflag:$0x1], $0x80, s28, s21, $0xb8;
	[tilespmem:$0x1B380] =	vst v63  }
0x109: {  	s12 =	smul.u32 $0x14, s12  }
0x10a: {  	[spmem:s3] =	stream.indirect.scatter.add.f32 [tilespmem:s2], [sflag:$0x2], $0x80, s1, s21, $0xb8;
	[tilespmem:$0x1B380] =	vst v63  }
0x10b: {  	s12 =	sadd.s32 s5, s12  }
0x10c: {  	[tilespmem:s23], [sflag:$0x4] =	stream.linear.gather [hbm4b:s12+s4], $0xA0, $0x38;
	[tilespmem:$0x1B380] =	vst v63  }
0x10d: {  	_ =	swait.ge [sflag:s26], $0x2800  }
0x10e: {  	[sflag:s26] =	ssyncset.done $0x0  }
0x10f: {  	[sflag:s26] =	ssyncadd.s32 $0xFFFFD800  }
0x110: {  	_ =	swait.ge [sflag:s30], $0xA0  }
.Ltmp2:
0x111: {  	[sflag:s30] =	ssyncset.done $0x0;
	(pc) =	sbr.rel @p1 .LBB2_6-.Ltmp2, $4  }
0x112: {  	[sflag:s30] =	ssyncadd.s32 $0xFFFFFF60  }
0x113: {  	v1 =	vld [tilespmem:$0x50]  }
0x114: {  	v2 =	vld [tilespmem:$0x60]  }
0x115: {  	v3 =	vld [tilespmem:$0x90]  }
0x116: {  	v4 =	vld [tilespmem:$0x80]  }
0x117: {  	v5 =	vld [tilespmem:$0x70]  }
0x118: {  	[tilespmem:$0x200] =	vst v1  }
0x119: {  	[tilespmem:$0x210] =	vst v2  }
0x11a: {  	[tilespmem:$0x240] =	vst v3  }
0x11b: {  	[tilespmem:$0x230] =	vst v4  }
0x11c: {  	s12 =	sadd.s32 s5, s17;
	[tilespmem:$0x220] =	vst v5  }
0x11d: {  	[tilespmem:s4], [sflag:$0x3] =	stream.linear.gather [hbm4b:s12+s4], $0xA0, $0x38;
	[tilespmem:$0x1B380] =	vst v63  }
0x11e: {  	_ =	swait.ge [sflag:s31], $0x2800  }
0x11f: {  	[sflag:s31] =	ssyncset.done $0x0  }
0x120: {  	[sflag:s31] =	ssyncadd.s32 $0xFFFFD800  }
0x121: {  	[spmem:s3] =	stream.indirect.scatter.add.f32 [tilespmem:s2], [sflag:$0x5], $0x80, s28, s21, $0xb8;
	[tilespmem:$0x1B380] =	vst v63  }
0x122: {  	_ =	swait.ge [sflag:s29], $0x2800  }
0x123: {  	[sflag:s29] =	ssyncset.done $0x0  }
0x124: {  	[sflag:s29] =	ssyncadd.s32 $0xFFFFD800  }
0x125: {  	_ =	swait.ge [sflag:s30], $0xA0  }
0x126: {  	[sflag:s30] =	ssyncset.done $0x0  }
0x127: {  	[sflag:s30] =	ssyncadd.s32 $0xFFFFFF60  }
0x128: {  	_ =	swait.ge [sflag:s24], $0xA0  }
0x129: {  	[sflag:s24] =	ssyncset.done $0x0  }
0x12a: {  	[sflag:s24] =	ssyncadd.s32 $0xFFFFFF60  }
0x12b: {  	[bflag:$0x0] =	sbarrier.arrive $0xFFFF  }
0x12c: {  	s12 =	simm.s32 @p0 $0x1FC5;
	s15 =	rddreg [dreg:$0xc]  }
0x12d: {  	[hbm:s15], [sflag:s12] =	dma.local @p0 [spmem:s8], $0x2800  }
0x12e: {  	s8 =	simm.s32 @p0 $0x5  }
0x12f: {  	_ =	swait.ge @p0 [sflag:s8], $0x2800  }
0x130: {  	[sflag:s8] =	ssyncset.done @p0 $0x0  }
0x131: {  	[sflag:s8] =	ssyncadd.s32 @p0 $0xFFFFD800;
	s8 =	rddreg [dreg:$0xb]  }
0x132: {  	[hbm:s8], [sflag:s13] =	dma.local @!p0 [spmem:s14], $0x2700  }
0x133: {  	s8 =	simm.s32 @!p0 $0x5  }
0x134: {  	_ =	swait.ge @!p0 [sflag:s8], $0x2700  }
0x135: {  	s6 =	sadd.s32 $0x1, s6;
	s19 =	rddreg [dreg:$0xd]  }
0x136: {  	p1 =	sne.s32 s6, s19  }
.Ltmp3:
0x137: {  	_ = 	snop;
	(pc) =	sbr.rel @p1 .LBB2_1-.Ltmp3, $3  }
0x138: {  	_ =	sdelay $0x1  }
0x139: {  	[sflag:s8] =	ssyncset.done @!p0 $0x0  }
0x13a: {  	[sflag:s8] =	ssyncadd.s32 @!p0 $0xFFFFD900  }
0x13b: {  	_ =	sfence.sel $0x180000  }
0x13c: {  	[bflag:$0x0] =	sbarrier.arrive $0xFFFF  }
0x13d: {  	_ =	strace $0x90000047  }
0x13e: {  	s0 =	stileid.u32;
	[bflag:$0x2] =	sbarrier.arrive $0xFFFF  }
0x13f: {  	p0 =	sne.s32 s0, $0x0;
	s0 =	rddreg [dreg:$0x4]  }
0x140: {  	s0 =	sadd.s32 @!p0 $0x100000, s0  }
0x141: {  	[sflag:s0] =	ssyncadd.tile.s32 @!p0 $0x1;
	_ =	shalt  }
.Lfunc_end2:
_tile_overlayer_lowered:
.L_overlay_start_2:
0x142: {  	(tag) =	ssettag $0x2  }
0x143: {  	s0 =	rddreg [dreg:$0x0];
	s2 =	stileid.u32  }
0x144: {  	s1 =	rddreg [dreg:$0x1];
	p0 =	sne.s32 s2, $0x0  }
0x145: {  	s3 =	rddreg [dreg:$0x2];
	[bflag:$0x3] =	sbarrier.arrive $0xFFFF;
	s2 =	simm.s32 @!p0 $0x1C05  }
0x146: {  	[timem:s3], [sflag:s2] =	dma.local @!p0 [hbm:s0], s1  }
0x147: {  	s0 =	simm.s32 @!p0 $0x5  }
0x148: {  	_ =	swait.ge @!p0 [sflag:s0], s1  }
0x149: {  	s1 =	ssub.s32 @!p0 $0x0, s1;
	[sflag:s0] =	ssyncset.done @!p0 $0x0  }
0x14a: {  	[sflag:s0] =	ssyncadd.s32 @!p0 s1  }
0x14b: {  	[bflag:$0x3] =	sbarrier.arrive $0xFFFF  }
0x14c: {  	_ =	shalt  }

</sc_bundles>
